<compile_context>
chip_gen: v7x
topology: tpu7x:2x2x1
jax: 0.10.2.dev20260603
libtpu: 0.0.44.dev20260713+nightly
codegen_flags: <defaults>
</compile_context>

<pallas_src>
import functools

import jax
import jax.numpy as jnp
from jax import lax
from jax.experimental import pallas as pl
from jax.experimental.pallas import tpu as pltpu
from jax.experimental.pallas import tpu_sc as plsc

_B0, _B1 = 4096, 200
_D = 64
_NC, _NS = 2, 16
_NW = _NC * _NS
_ROWS_PER_W = _B0 // _NW
_NBUF = 4
_LAG = 2
_N_GROUPS = _ROWS_PER_W // _NBUF - 1

_mesh = plsc.VectorSubcoreMesh(core_axis_name="c", subcore_axis_name="s")


@functools.partial(
    pl.kernel,
    mesh=_mesh,
    compiler_params=pltpu.CompilerParams(use_tc_tiling_on_sc=False),
    out_type=jax.ShapeDtypeStruct((_B0, _B1, _D), jnp.float32),
    scratch_types=[
        pltpu.VMEM((_ROWS_PER_W, _B1), jnp.int32),
        *[pltpu.VMEM((_B1, _D), jnp.float32) for _ in range(_NBUF)],
        *[pltpu.SemaphoreType.DMA for _ in range(2 * _NBUF)],
    ],
)
def _gather(idx_hbm, table_hbm, out_hbm, idx_v, *scratch):
    bufs = scratch[:_NBUF]
    gsem = scratch[_NBUF:2 * _NBUF]
    ssem = scratch[2 * _NBUF:]

    wid = lax.axis_index("s") * _NC + lax.axis_index("c")
    base = wid * _ROWS_PER_W
    pltpu.sync_copy(idx_hbm.at[pl.ds(base, _ROWS_PER_W)], idx_v)

    def start_gather(j, b):
        pltpu.async_copy(table_hbm.at[idx_v.at[j]], bufs[b], gsem[b])

    def wait_gather(b):
        pltpu.make_async_copy(table_hbm.at[idx_v.at[0]], bufs[b], gsem[b]).wait()

    def start_store(j, b):
        pltpu.async_copy(bufs[b], out_hbm.at[base + j], ssem[b])

    def wait_store(b):
        pltpu.make_async_copy(bufs[b], out_hbm.at[0], ssem[b]).wait()

    for b in range(_NBUF):
        start_gather(b, b)
    for b in range(_NBUF - _LAG):
        wait_gather(b)
        start_store(b, b)

    def group(g, carry):
        base_j = _NBUF + g * _NBUF
        for b in range(_NBUF):
            j = base_j + b
            wait_store(b)
            start_gather(j, b)
            b2 = (b - _LAG) % _NBUF
            wait_gather(b2)
            start_store(j - _LAG, b2)
        return carry

    lax.fori_loop(0, _N_GROUPS, group, 0)

    for j in range(_ROWS_PER_W - _LAG, _ROWS_PER_W):
        b = j % _NBUF
        wait_gather(b)
        start_store(j, b)
    for b in range(_NBUF):
        wait_store(b)


def kernel(token_ids, embeds):
    return _gather(token_ids, embeds)

# --- scband reference (transcript-rebuilt; emitter-appended) ---
"""Pipeline reference for scband-embedding-14267881357933 (READ-ONLY COPY).

The authoritative reference and input builder live on the scoring server;
editing this copy changes nothing except your own understanding.
"""

import jax, jax.numpy as jnp
import numpy as np

NUM_EMBEDDINGS = 1000000
EMBEDDING_DIM = 64

def setup_inputs(seed: int = 0) -> dict:
    key = jax.random.key(seed)
    k_idx, k_emb = jax.random.split(key)
    token_ids = jax.random.randint(k_idx, (4096, 200), 0, NUM_EMBEDDINGS, dtype=jnp.int64 if jax.config.jax_enable_x64 else jnp.int32)
    # truncated normal init, mean=0, std=1, a=-3, b=3 (matches nn.init.trunc_normal_)
    embeds = jax.random.truncated_normal(k_emb, -3.0, 3.0, (NUM_EMBEDDINGS, EMBEDDING_DIM), dtype=jnp.float32)
    return {"token_ids": token_ids, "embeds": embeds}

def reference(token_ids, embeds):
    # embedding lookup: self.embeds[token_ids]
    return jnp.take(embeds, token_ids, axis=0)

if __name__ == "__main__":
    import jax
    _d = setup_inputs()
    print(jax.jit(kernel)(*tuple(_d.values())))

</pallas_src>

<mosaic_0001>
#map = affine_map<(d0, d1) -> (0, 0)>
#map1 = affine_map<(d0, d1) -> (0, 0, 0)>
module attributes {stable_mosaic.version = 14 : i64} {
  func.func @_gather(%arg0: i32, %arg1: i32, %arg2: memref<4096x200xi32, #tpu.memory_space<hbm>>, %arg3: memref<1000000x64xf32, #tpu.memory_space<hbm>>, %arg4: memref<4096x200x64xf32, #tpu.memory_space<hbm>>, %arg5: memref<128x200xi32, #tpu.memory_space<vmem>>, %arg6: memref<200x64xf32, #tpu.memory_space<vmem>>, %arg7: memref<200x64xf32, #tpu.memory_space<vmem>>, %arg8: memref<200x64xf32, #tpu.memory_space<vmem>>, %arg9: memref<200x64xf32, #tpu.memory_space<vmem>>, %arg10: memref<!tpu.dma_semaphore, #tpu.memory_space<semaphore_mem>>, %arg11: memref<!tpu.dma_semaphore, #tpu.memory_space<semaphore_mem>>, %arg12: memref<!tpu.dma_semaphore, #tpu.memory_space<semaphore_mem>>, %arg13: memref<!tpu.dma_semaphore, #tpu.memory_space<semaphore_mem>>, %arg14: memref<!tpu.dma_semaphore, #tpu.memory_space<semaphore_mem>>, %arg15: memref<!tpu.dma_semaphore, #tpu.memory_space<semaphore_mem>>, %arg16: memref<!tpu.dma_semaphore, #tpu.memory_space<semaphore_mem>>, %arg17: memref<!tpu.dma_semaphore, #tpu.memory_space<semaphore_mem>>) attributes {dimension_semantics = [#tpu.dimension_semantics<core_parallel>, #tpu.dimension_semantics<subcore_parallel>], iteration_bounds = array<i64: 2, 16>, scalar_prefetch = 0 : i64, scratch_operands = 13 : i64, tpu.core_type = #tpu.core_type<sc_vector_subcore>, window_params = [{transform_indices = #map}, {transform_indices = #map}, {transform_indices = #map1}]} {
    %mul3A = arith.constant 2 : i32
    %mul3A_0 = arith.muli %arg1, %mul3A : i32
    %add3A = arith.addi %mul3A_0, %arg0 : i32
    %mul3A_1 = arith.constant 128 : i32
    %mul3A_2 = arith.muli %add3A, %mul3A_1 : i32
    "tpu.region"() ({
      %run_scoped3A = tpu.sem_alloc : memref<!tpu.dma_semaphore, #tpu.memory_space<semaphore_mem>>
      %dma_start3A_138 = arith.constant 0 : i32
      %dma_start3A_139 = tpu.memref_slice %arg2[%mul3A_2, %dma_start3A_138] : memref<4096x200xi32, #tpu.memory_space<hbm>> -> memref<128x200xi32, #tpu.memory_space<hbm>>
      %dma_start3A_140 = arith.constant 0 : i32
      %dma_start3A_141 = tpu.memref_slice %arg2[%mul3A_2, %dma_start3A_140] : memref<4096x200xi32, #tpu.memory_space<hbm>> -> memref<128x200xi32, #tpu.memory_space<hbm>>
      tpu.enqueue_dma source(%dma_start3A_141 : memref<128x200xi32, #tpu.memory_space<hbm>>) target(%arg5 : memref<128x200xi32, #tpu.memory_space<vmem>>) target_semaphore(%run_scoped3A : memref<!tpu.dma_semaphore, #tpu.memory_space<semaphore_mem>>)
      %dma_wait3A_142 = arith.constant 0 : i32
      %dma_wait3A_143 = tpu.memref_slice %arg2[%mul3A_2, %dma_wait3A_142] : memref<4096x200xi32, #tpu.memory_space<hbm>> -> memref<128x200xi32, #tpu.memory_space<hbm>>
      %dma_wait3A_144 = arith.constant 0 : i32
      %dma_wait3A_145 = tpu.memref_slice %arg2[%mul3A_2, %dma_wait3A_144] : memref<4096x200xi32, #tpu.memory_space<hbm>> -> memref<128x200xi32, #tpu.memory_space<hbm>>
      tpu.wait_dma2 semaphore(%run_scoped3A : memref<!tpu.dma_semaphore, #tpu.memory_space<semaphore_mem>>) src(%dma_wait3A_145 : memref<128x200xi32, #tpu.memory_space<hbm>>) dst(%arg5 : memref<128x200xi32, #tpu.memory_space<vmem>>)
      tpu.yield
    }) : () -> ()
    %dma_start3A = arith.constant 0 : i32
    %dma_start3A_3 = arith.constant 0 : i32
    %dma_start3A_4 = tpu.memref_slice %arg5[%dma_start3A, %dma_start3A_3] : memref<128x200xi32, #tpu.memory_space<vmem>> -> memref<1x200xi32, #tpu.memory_space<vmem>>
    %dma_start3A_5 = tpu.memref_squeeze %dma_start3A_4 : memref<1x200xi32, #tpu.memory_space<vmem>> -> memref<200xi32, #tpu.memory_space<vmem>>
    %dma_start3A_6 = arith.constant 0 : i32
    %dma_start3A_7 = arith.constant 0 : i32
    %dma_start3A_8 = tpu.memref_slice %arg3[%dma_start3A_6, %dma_start3A_7] : memref<1000000x64xf32, #tpu.memory_space<hbm>> -> memref<1000000x64xf32, #tpu.memory_space<hbm>>
    tpu.enqueue_indirect_dma source(%dma_start3A_8 : memref<1000000x64xf32, #tpu.memory_space<hbm>>) target(%arg6 : memref<200x64xf32, #tpu.memory_space<vmem>>) offsets(%dma_start3A_5 : memref<200xi32, #tpu.memory_space<vmem>>) semaphore(%arg10 : memref<!tpu.dma_semaphore, #tpu.memory_space<semaphore_mem>>)
    %dma_start3A_9 = arith.constant 1 : i32
    %dma_start3A_10 = arith.constant 0 : i32
    %dma_start3A_11 = tpu.memref_slice %arg5[%dma_start3A_9, %dma_start3A_10] : memref<128x200xi32, #tpu.memory_space<vmem>> -> memref<1x200xi32, #tpu.memory_space<vmem>>
    %dma_start3A_12 = tpu.memref_squeeze %dma_start3A_11 : memref<1x200xi32, #tpu.memory_space<vmem>> -> memref<200xi32, #tpu.memory_space<vmem>>
    %dma_start3A_13 = arith.constant 0 : i32
    %dma_start3A_14 = arith.constant 0 : i32
    %dma_start3A_15 = tpu.memref_slice %arg3[%dma_start3A_13, %dma_start3A_14] : memref<1000000x64xf32, #tpu.memory_space<hbm>> -> memref<1000000x64xf32, #tpu.memory_space<hbm>>
    tpu.enqueue_indirect_dma source(%dma_start3A_15 : memref<1000000x64xf32, #tpu.memory_space<hbm>>) target(%arg7 : memref<200x64xf32, #tpu.memory_space<vmem>>) offsets(%dma_start3A_12 : memref<200xi32, #tpu.memory_space<vmem>>) semaphore(%arg11 : memref<!tpu.dma_semaphore, #tpu.memory_space<semaphore_mem>>)
    %dma_start3A_16 = arith.constant 2 : i32
    %dma_start3A_17 = arith.constant 0 : i32
    %dma_start3A_18 = tpu.memref_slice %arg5[%dma_start3A_16, %dma_start3A_17] : memref<128x200xi32, #tpu.memory_space<vmem>> -> memref<1x200xi32, #tpu.memory_space<vmem>>
    %dma_start3A_19 = tpu.memref_squeeze %dma_start3A_18 : memref<1x200xi32, #tpu.memory_space<vmem>> -> memref<200xi32, #tpu.memory_space<vmem>>
    %dma_start3A_20 = arith.constant 0 : i32
    %dma_start3A_21 = arith.constant 0 : i32
    %dma_start3A_22 = tpu.memref_slice %arg3[%dma_start3A_20, %dma_start3A_21] : memref<1000000x64xf32, #tpu.memory_space<hbm>> -> memref<1000000x64xf32, #tpu.memory_space<hbm>>
    tpu.enqueue_indirect_dma source(%dma_start3A_22 : memref<1000000x64xf32, #tpu.memory_space<hbm>>) target(%arg8 : memref<200x64xf32, #tpu.memory_space<vmem>>) offsets(%dma_start3A_19 : memref<200xi32, #tpu.memory_space<vmem>>) semaphore(%arg12 : memref<!tpu.dma_semaphore, #tpu.memory_space<semaphore_mem>>)
    %dma_start3A_23 = arith.constant 3 : i32
    %dma_start3A_24 = arith.constant 0 : i32
    %dma_start3A_25 = tpu.memref_slice %arg5[%dma_start3A_23, %dma_start3A_24] : memref<128x200xi32, #tpu.memory_space<vmem>> -> memref<1x200xi32, #tpu.memory_space<vmem>>
    %dma_start3A_26 = tpu.memref_squeeze %dma_start3A_25 : memref<1x200xi32, #tpu.memory_space<vmem>> -> memref<200xi32, #tpu.memory_space<vmem>>
    %dma_start3A_27 = arith.constant 0 : i32
    %dma_start3A_28 = arith.constant 0 : i32
    %dma_start3A_29 = tpu.memref_slice %arg3[%dma_start3A_27, %dma_start3A_28] : memref<1000000x64xf32, #tpu.memory_space<hbm>> -> memref<1000000x64xf32, #tpu.memory_space<hbm>>
    tpu.enqueue_indirect_dma source(%dma_start3A_29 : memref<1000000x64xf32, #tpu.memory_space<hbm>>) target(%arg9 : memref<200x64xf32, #tpu.memory_space<vmem>>) offsets(%dma_start3A_26 : memref<200xi32, #tpu.memory_space<vmem>>) semaphore(%arg13 : memref<!tpu.dma_semaphore, #tpu.memory_space<semaphore_mem>>)
    %dma_wait3A = arith.constant 0 : i32
    %dma_wait3A_30 = arith.constant 0 : i32
    %dma_wait3A_31 = tpu.memref_slice %arg5[%dma_wait3A, %dma_wait3A_30] : memref<128x200xi32, #tpu.memory_space<vmem>> -> memref<1x200xi32, #tpu.memory_space<vmem>>
    %dma_wait3A_32 = tpu.memref_squeeze %dma_wait3A_31 : memref<1x200xi32, #tpu.memory_space<vmem>> -> memref<200xi32, #tpu.memory_space<vmem>>
    %dma_wait3A_33 = arith.constant 0 : i32
    %dma_wait3A_34 = arith.constant 0 : i32
    %dma_wait3A_35 = tpu.memref_slice %arg3[%dma_wait3A_33, %dma_wait3A_34] : memref<1000000x64xf32, #tpu.memory_space<hbm>> -> memref<1000000x64xf32, #tpu.memory_space<hbm>>
    tpu.wait_indirect_dma semaphore(%arg10 : memref<!tpu.dma_semaphore, #tpu.memory_space<semaphore_mem>>) src(%dma_wait3A_35 : memref<1000000x64xf32, #tpu.memory_space<hbm>>) dst(%arg6 : memref<200x64xf32, #tpu.memory_space<vmem>>)
    %add3A_36 = arith.constant 0 : i32
    %add3A_37 = arith.addi %mul3A_2, %add3A_36 : i32
    %dma_start3A_38 = arith.constant 0 : i32
    %dma_start3A_39 = arith.constant 0 : i32
    %dma_start3A_40 = tpu.memref_slice %arg4[%add3A_37, %dma_start3A_38, %dma_start3A_39] : memref<4096x200x64xf32, #tpu.memory_space<hbm>> -> memref<1x200x64xf32, #tpu.memory_space<hbm>>
    %dma_start3A_41 = tpu.memref_squeeze %dma_start3A_40 : memref<1x200x64xf32, #tpu.memory_space<hbm>> -> memref<200x64xf32, #tpu.memory_space<hbm>>
    %dma_start3A_42 = arith.constant 0 : i32
    %dma_start3A_43 = arith.constant 0 : i32
    %dma_start3A_44 = tpu.memref_slice %arg4[%add3A_37, %dma_start3A_42, %dma_start3A_43] : memref<4096x200x64xf32, #tpu.memory_space<hbm>> -> memref<1x200x64xf32, #tpu.memory_space<hbm>>
    %dma_start3A_45 = tpu.memref_squeeze %dma_start3A_44 : memref<1x200x64xf32, #tpu.memory_space<hbm>> -> memref<200x64xf32, #tpu.memory_space<hbm>>
    tpu.enqueue_dma source(%arg6 : memref<200x64xf32, #tpu.memory_space<vmem>>) target(%dma_start3A_45 : memref<200x64xf32, #tpu.memory_space<hbm>>) target_semaphore(%arg14 : memref<!tpu.dma_semaphore, #tpu.memory_space<semaphore_mem>>)
    %dma_wait3A_46 = arith.constant 0 : i32
    %dma_wait3A_47 = arith.constant 0 : i32
    %dma_wait3A_48 = tpu.memref_slice %arg5[%dma_wait3A_46, %dma_wait3A_47] : memref<128x200xi32, #tpu.memory_space<vmem>> -> memref<1x200xi32, #tpu.memory_space<vmem>>
    %dma_wait3A_49 = tpu.memref_squeeze %dma_wait3A_48 : memref<1x200xi32, #tpu.memory_space<vmem>> -> memref<200xi32, #tpu.memory_space<vmem>>
    %dma_wait3A_50 = arith.constant 0 : i32
    %dma_wait3A_51 = arith.constant 0 : i32
    %dma_wait3A_52 = tpu.memref_slice %arg3[%dma_wait3A_50, %dma_wait3A_51] : memref<1000000x64xf32, #tpu.memory_space<hbm>> -> memref<1000000x64xf32, #tpu.memory_space<hbm>>
    tpu.wait_indirect_dma semaphore(%arg11 : memref<!tpu.dma_semaphore, #tpu.memory_space<semaphore_mem>>) src(%dma_wait3A_52 : memref<1000000x64xf32, #tpu.memory_space<hbm>>) dst(%arg7 : memref<200x64xf32, #tpu.memory_space<vmem>>)
    %add3A_53 = arith.constant 1 : i32
    %add3A_54 = arith.addi %mul3A_2, %add3A_53 : i32
    %dma_start3A_55 = arith.constant 0 : i32
    %dma_start3A_56 = arith.constant 0 : i32
    %dma_start3A_57 = tpu.memref_slice %arg4[%add3A_54, %dma_start3A_55, %dma_start3A_56] : memref<4096x200x64xf32, #tpu.memory_space<hbm>> -> memref<1x200x64xf32, #tpu.memory_space<hbm>>
    %dma_start3A_58 = tpu.memref_squeeze %dma_start3A_57 : memref<1x200x64xf32, #tpu.memory_space<hbm>> -> memref<200x64xf32, #tpu.memory_space<hbm>>
    %dma_start3A_59 = arith.constant 0 : i32
    %dma_start3A_60 = arith.constant 0 : i32
    %dma_start3A_61 = tpu.memref_slice %arg4[%add3A_54, %dma_start3A_59, %dma_start3A_60] : memref<4096x200x64xf32, #tpu.memory_space<hbm>> -> memref<1x200x64xf32, #tpu.memory_space<hbm>>
    %dma_start3A_62 = tpu.memref_squeeze %dma_start3A_61 : memref<1x200x64xf32, #tpu.memory_space<hbm>> -> memref<200x64xf32, #tpu.memory_space<hbm>>
    tpu.enqueue_dma source(%arg7 : memref<200x64xf32, #tpu.memory_space<vmem>>) target(%dma_start3A_62 : memref<200x64xf32, #tpu.memory_space<hbm>>) target_semaphore(%arg15 : memref<!tpu.dma_semaphore, #tpu.memory_space<semaphore_mem>>)
    %scan3A = arith.constant 0 : i32
    %scan3A_63 = arith.constant 0 : i32
    %scan3A_64 = arith.constant 31 : i32
    %scan3A_65 = arith.addi %scan3A_63, %scan3A_64 : i32
    %scan3A_66 = arith.constant 1 : i32
    scf.for %scan3A_138 = %scan3A_63 to %scan3A_65 step %scan3A_66  : i32 {
      %mul3A_139 = arith.constant 4 : i32
      %mul3A_140 = arith.muli %scan3A_138, %mul3A_139 : i32
      %add3A_141 = arith.constant 4 : i32
      %add3A_142 = arith.addi %add3A_141, %mul3A_140 : i32
      %add3A_143 = arith.constant 0 : i32
      %add3A_144 = arith.addi %add3A_142, %add3A_143 : i32
      %dma_wait3A_145 = arith.constant 0 : i32
      %dma_wait3A_146 = arith.constant 0 : i32
      %dma_wait3A_147 = arith.constant 0 : i32
      %dma_wait3A_148 = tpu.memref_slice %arg4[%dma_wait3A_145, %dma_wait3A_146, %dma_wait3A_147] : memref<4096x200x64xf32, #tpu.memory_space<hbm>> -> memref<1x200x64xf32, #tpu.memory_space<hbm>>
      %dma_wait3A_149 = tpu.memref_squeeze %dma_wait3A_148 : memref<1x200x64xf32, #tpu.memory_space<hbm>> -> memref<200x64xf32, #tpu.memory_space<hbm>>
      %dma_wait3A_150 = arith.constant 0 : i32
      %dma_wait3A_151 = arith.constant 0 : i32
      %dma_wait3A_152 = tpu.memref_slice %arg4[%dma_wait3A_145, %dma_wait3A_150, %dma_wait3A_151] : memref<4096x200x64xf32, #tpu.memory_space<hbm>> -> memref<1x200x64xf32, #tpu.memory_space<hbm>>
      %dma_wait3A_153 = tpu.memref_squeeze %dma_wait3A_152 : memref<1x200x64xf32, #tpu.memory_space<hbm>> -> memref<200x64xf32, #tpu.memory_space<hbm>>
      tpu.wait_dma2 semaphore(%arg14 : memref<!tpu.dma_semaphore, #tpu.memory_space<semaphore_mem>>) src(%arg6 : memref<200x64xf32, #tpu.memory_space<vmem>>) dst(%dma_wait3A_153 : memref<200x64xf32, #tpu.memory_space<hbm>>)
      %dma_start3A_154 = arith.constant 0 : i32
      %dma_start3A_155 = tpu.memref_slice %arg5[%add3A_144, %dma_start3A_154] : memref<128x200xi32, #tpu.memory_space<vmem>> -> memref<1x200xi32, #tpu.memory_space<vmem>>
      %dma_start3A_156 = tpu.memref_squeeze %dma_start3A_155 : memref<1x200xi32, #tpu.memory_space<vmem>> -> memref<200xi32, #tpu.memory_space<vmem>>
      %dma_start3A_157 = arith.constant 0 : i32
      %dma_start3A_158 = arith.constant 0 : i32
      %dma_start3A_159 = tpu.memref_slice %arg3[%dma_start3A_157, %dma_start3A_158] : memref<1000000x64xf32, #tpu.memory_space<hbm>> -> memref<1000000x64xf32, #tpu.memory_space<hbm>>
      tpu.enqueue_indirect_dma source(%dma_start3A_159 : memref<1000000x64xf32, #tpu.memory_space<hbm>>) target(%arg6 : memref<200x64xf32, #tpu.memory_space<vmem>>) offsets(%dma_start3A_156 : memref<200xi32, #tpu.memory_space<vmem>>) semaphore(%arg10 : memref<!tpu.dma_semaphore, #tpu.memory_space<semaphore_mem>>)
      %dma_wait3A_160 = arith.constant 0 : i32
      %dma_wait3A_161 = arith.constant 0 : i32
      %dma_wait3A_162 = tpu.memref_slice %arg5[%dma_wait3A_160, %dma_wait3A_161] : memref<128x200xi32, #tpu.memory_space<vmem>> -> memref<1x200xi32, #tpu.memory_space<vmem>>
      %dma_wait3A_163 = tpu.memref_squeeze %dma_wait3A_162 : memref<1x200xi32, #tpu.memory_space<vmem>> -> memref<200xi32, #tpu.memory_space<vmem>>
      %dma_wait3A_164 = arith.constant 0 : i32
      %dma_wait3A_165 = arith.constant 0 : i32
      %dma_wait3A_166 = tpu.memref_slice %arg3[%dma_wait3A_164, %dma_wait3A_165] : memref<1000000x64xf32, #tpu.memory_space<hbm>> -> memref<1000000x64xf32, #tpu.memory_space<hbm>>
      tpu.wait_indirect_dma semaphore(%arg12 : memref<!tpu.dma_semaphore, #tpu.memory_space<semaphore_mem>>) src(%dma_wait3A_166 : memref<1000000x64xf32, #tpu.memory_space<hbm>>) dst(%arg8 : memref<200x64xf32, #tpu.memory_space<vmem>>)
      %sub3A = arith.constant 2 : i32
      %sub3A_167 = arith.subi %add3A_144, %sub3A : i32
      %add3A_168 = arith.addi %mul3A_2, %sub3A_167 : i32
      %dma_start3A_169 = arith.constant 0 : i32
      %dma_start3A_170 = arith.constant 0 : i32
      %dma_start3A_171 = tpu.memref_slice %arg4[%add3A_168, %dma_start3A_169, %dma_start3A_170] : memref<4096x200x64xf32, #tpu.memory_space<hbm>> -> memref<1x200x64xf32, #tpu.memory_space<hbm>>
      %dma_start3A_172 = tpu.memref_squeeze %dma_start3A_171 : memref<1x200x64xf32, #tpu.memory_space<hbm>> -> memref<200x64xf32, #tpu.memory_space<hbm>>
      %dma_start3A_173 = arith.constant 0 : i32
      %dma_start3A_174 = arith.constant 0 : i32
      %dma_start3A_175 = tpu.memref_slice %arg4[%add3A_168, %dma_start3A_173, %dma_start3A_174] : memref<4096x200x64xf32, #tpu.memory_space<hbm>> -> memref<1x200x64xf32, #tpu.memory_space<hbm>>
      %dma_start3A_176 = tpu.memref_squeeze %dma_start3A_175 : memref<1x200x64xf32, #tpu.memory_space<hbm>> -> memref<200x64xf32, #tpu.memory_space<hbm>>
      tpu.enqueue_dma source(%arg8 : memref<200x64xf32, #tpu.memory_space<vmem>>) target(%dma_start3A_176 : memref<200x64xf32, #tpu.memory_space<hbm>>) target_semaphore(%arg16 : memref<!tpu.dma_semaphore, #tpu.memory_space<semaphore_mem>>)
      %add3A_177 = arith.constant 1 : i32
      %add3A_178 = arith.addi %add3A_142, %add3A_177 : i32
      %dma_wait3A_179 = arith.constant 0 : i32
      %dma_wait3A_180 = arith.constant 0 : i32
      %dma_wait3A_181 = arith.constant 0 : i32
      %dma_wait3A_182 = tpu.memref_slice %arg4[%dma_wait3A_179, %dma_wait3A_180, %dma_wait3A_181] : memref<4096x200x64xf32, #tpu.memory_space<hbm>> -> memref<1x200x64xf32, #tpu.memory_space<hbm>>
      %dma_wait3A_183 = tpu.memref_squeeze %dma_wait3A_182 : memref<1x200x64xf32, #tpu.memory_space<hbm>> -> memref<200x64xf32, #tpu.memory_space<hbm>>
      %dma_wait3A_184 = arith.constant 0 : i32
      %dma_wait3A_185 = arith.constant 0 : i32
      %dma_wait3A_186 = tpu.memref_slice %arg4[%dma_wait3A_179, %dma_wait3A_184, %dma_wait3A_185] : memref<4096x200x64xf32, #tpu.memory_space<hbm>> -> memref<1x200x64xf32, #tpu.memory_space<hbm>>
      %dma_wait3A_187 = tpu.memref_squeeze %dma_wait3A_186 : memref<1x200x64xf32, #tpu.memory_space<hbm>> -> memref<200x64xf32, #tpu.memory_space<hbm>>
      tpu.wait_dma2 semaphore(%arg15 : memref<!tpu.dma_semaphore, #tpu.memory_space<semaphore_mem>>) src(%arg7 : memref<200x64xf32, #tpu.memory_space<vmem>>) dst(%dma_wait3A_187 : memref<200x64xf32, #tpu.memory_space<hbm>>)
      %dma_start3A_188 = arith.constant 0 : i32
      %dma_start3A_189 = tpu.memref_slice %arg5[%add3A_178, %dma_start3A_188] : memref<128x200xi32, #tpu.memory_space<vmem>> -> memref<1x200xi32, #tpu.memory_space<vmem>>
      %dma_start3A_190 = tpu.memref_squeeze %dma_start3A_189 : memref<1x200xi32, #tpu.memory_space<vmem>> -> memref<200xi32, #tpu.memory_space<vmem>>
      %dma_start3A_191 = arith.constant 0 : i32
      %dma_start3A_192 = arith.constant 0 : i32
      %dma_start3A_193 = tpu.memref_slice %arg3[%dma_start3A_191, %dma_start3A_192] : memref<1000000x64xf32, #tpu.memory_space<hbm>> -> memref<1000000x64xf32, #tpu.memory_space<hbm>>
      tpu.enqueue_indirect_dma source(%dma_start3A_193 : memref<1000000x64xf32, #tpu.memory_space<hbm>>) target(%arg7 : memref<200x64xf32, #tpu.memory_space<vmem>>) offsets(%dma_start3A_190 : memref<200xi32, #tpu.memory_space<vmem>>) semaphore(%arg11 : memref<!tpu.dma_semaphore, #tpu.memory_space<semaphore_mem>>)
      %dma_wait3A_194 = arith.constant 0 : i32
      %dma_wait3A_195 = arith.constant 0 : i32
      %dma_wait3A_196 = tpu.memref_slice %arg5[%dma_wait3A_194, %dma_wait3A_195] : memref<128x200xi32, #tpu.memory_space<vmem>> -> memref<1x200xi32, #tpu.memory_space<vmem>>
      %dma_wait3A_197 = tpu.memref_squeeze %dma_wait3A_196 : memref<1x200xi32, #tpu.memory_space<vmem>> -> memref<200xi32, #tpu.memory_space<vmem>>
      %dma_wait3A_198 = arith.constant 0 : i32
      %dma_wait3A_199 = arith.constant 0 : i32
      %dma_wait3A_200 = tpu.memref_slice %arg3[%dma_wait3A_198, %dma_wait3A_199] : memref<1000000x64xf32, #tpu.memory_space<hbm>> -> memref<1000000x64xf32, #tpu.memory_space<hbm>>
      tpu.wait_indirect_dma semaphore(%arg13 : memref<!tpu.dma_semaphore, #tpu.memory_space<semaphore_mem>>) src(%dma_wait3A_200 : memref<1000000x64xf32, #tpu.memory_space<hbm>>) dst(%arg9 : memref<200x64xf32, #tpu.memory_space<vmem>>)
      %sub3A_201 = arith.constant 2 : i32
      %sub3A_202 = arith.subi %add3A_178, %sub3A_201 : i32
      %add3A_203 = arith.addi %mul3A_2, %sub3A_202 : i32
      %dma_start3A_204 = arith.constant 0 : i32
      %dma_start3A_205 = arith.constant 0 : i32
      %dma_start3A_206 = tpu.memref_slice %arg4[%add3A_203, %dma_start3A_204, %dma_start3A_205] : memref<4096x200x64xf32, #tpu.memory_space<hbm>> -> memref<1x200x64xf32, #tpu.memory_space<hbm>>
      %dma_start3A_207 = tpu.memref_squeeze %dma_start3A_206 : memref<1x200x64xf32, #tpu.memory_space<hbm>> -> memref<200x64xf32, #tpu.memory_space<hbm>>
      %dma_start3A_208 = arith.constant 0 : i32
      %dma_start3A_209 = arith.constant 0 : i32
      %dma_start3A_210 = tpu.memref_slice %arg4[%add3A_203, %dma_start3A_208, %dma_start3A_209] : memref<4096x200x64xf32, #tpu.memory_space<hbm>> -> memref<1x200x64xf32, #tpu.memory_space<hbm>>
      %dma_start3A_211 = tpu.memref_squeeze %dma_start3A_210 : memref<1x200x64xf32, #tpu.memory_space<hbm>> -> memref<200x64xf32, #tpu.memory_space<hbm>>
      tpu.enqueue_dma source(%arg9 : memref<200x64xf32, #tpu.memory_space<vmem>>) target(%dma_start3A_211 : memref<200x64xf32, #tpu.memory_space<hbm>>) target_semaphore(%arg17 : memref<!tpu.dma_semaphore, #tpu.memory_space<semaphore_mem>>)
      %add3A_212 = arith.constant 2 : i32
      %add3A_213 = arith.addi %add3A_142, %add3A_212 : i32
      %dma_wait3A_214 = arith.constant 0 : i32
      %dma_wait3A_215 = arith.constant 0 : i32
      %dma_wait3A_216 = arith.constant 0 : i32
      %dma_wait3A_217 = tpu.memref_slice %arg4[%dma_wait3A_214, %dma_wait3A_215, %dma_wait3A_216] : memref<4096x200x64xf32, #tpu.memory_space<hbm>> -> memref<1x200x64xf32, #tpu.memory_space<hbm>>
      %dma_wait3A_218 = tpu.memref_squeeze %dma_wait3A_217 : memref<1x200x64xf32, #tpu.memory_space<hbm>> -> memref<200x64xf32, #tpu.memory_space<hbm>>
      %dma_wait3A_219 = arith.constant 0 : i32
      %dma_wait3A_220 = arith.constant 0 : i32
      %dma_wait3A_221 = tpu.memref_slice %arg4[%dma_wait3A_214, %dma_wait3A_219, %dma_wait3A_220] : memref<4096x200x64xf32, #tpu.memory_space<hbm>> -> memref<1x200x64xf32, #tpu.memory_space<hbm>>
      %dma_wait3A_222 = tpu.memref_squeeze %dma_wait3A_221 : memref<1x200x64xf32, #tpu.memory_space<hbm>> -> memref<200x64xf32, #tpu.memory_space<hbm>>
      tpu.wait_dma2 semaphore(%arg16 : memref<!tpu.dma_semaphore, #tpu.memory_space<semaphore_mem>>) src(%arg8 : memref<200x64xf32, #tpu.memory_space<vmem>>) dst(%dma_wait3A_222 : memref<200x64xf32, #tpu.memory_space<hbm>>)
      %dma_start3A_223 = arith.constant 0 : i32
      %dma_start3A_224 = tpu.memref_slice %arg5[%add3A_213, %dma_start3A_223] : memref<128x200xi32, #tpu.memory_space<vmem>> -> memref<1x200xi32, #tpu.memory_space<vmem>>
      %dma_start3A_225 = tpu.memref_squeeze %dma_start3A_224 : memref<1x200xi32, #tpu.memory_space<vmem>> -> memref<200xi32, #tpu.memory_space<vmem>>
      %dma_start3A_226 = arith.constant 0 : i32
      %dma_start3A_227 = arith.constant 0 : i32
      %dma_start3A_228 = tpu.memref_slice %arg3[%dma_start3A_226, %dma_start3A_227] : memref<1000000x64xf32, #tpu.memory_space<hbm>> -> memref<1000000x64xf32, #tpu.memory_space<hbm>>
      tpu.enqueue_indirect_dma source(%dma_start3A_228 : memref<1000000x64xf32, #tpu.memory_space<hbm>>) target(%arg8 : memref<200x64xf32, #tpu.memory_space<vmem>>) offsets(%dma_start3A_225 : memref<200xi32, #tpu.memory_space<vmem>>) semaphore(%arg12 : memref<!tpu.dma_semaphore, #tpu.memory_space<semaphore_mem>>)
      %dma_wait3A_229 = arith.constant 0 : i32
      %dma_wait3A_230 = arith.constant 0 : i32
      %dma_wait3A_231 = tpu.memref_slice %arg5[%dma_wait3A_229, %dma_wait3A_230] : memref<128x200xi32, #tpu.memory_space<vmem>> -> memref<1x200xi32, #tpu.memory_space<vmem>>
      %dma_wait3A_232 = tpu.memref_squeeze %dma_wait3A_231 : memref<1x200xi32, #tpu.memory_space<vmem>> -> memref<200xi32, #tpu.memory_space<vmem>>
      %dma_wait3A_233 = arith.constant 0 : i32
      %dma_wait3A_234 = arith.constant 0 : i32
      %dma_wait3A_235 = tpu.memref_slice %arg3[%dma_wait3A_233, %dma_wait3A_234] : memref<1000000x64xf32, #tpu.memory_space<hbm>> -> memref<1000000x64xf32, #tpu.memory_space<hbm>>
      tpu.wait_indirect_dma semaphore(%arg10 : memref<!tpu.dma_semaphore, #tpu.memory_space<semaphore_mem>>) src(%dma_wait3A_235 : memref<1000000x64xf32, #tpu.memory_space<hbm>>) dst(%arg6 : memref<200x64xf32, #tpu.memory_space<vmem>>)
      %sub3A_236 = arith.constant 2 : i32
      %sub3A_237 = arith.subi %add3A_213, %sub3A_236 : i32
      %add3A_238 = arith.addi %mul3A_2, %sub3A_237 : i32
      %dma_start3A_239 = arith.constant 0 : i32
      %dma_start3A_240 = arith.constant 0 : i32
      %dma_start3A_241 = tpu.memref_slice %arg4[%add3A_238, %dma_start3A_239, %dma_start3A_240] : memref<4096x200x64xf32, #tpu.memory_space<hbm>> -> memref<1x200x64xf32, #tpu.memory_space<hbm>>
      %dma_start3A_242 = tpu.memref_squeeze %dma_start3A_241 : memref<1x200x64xf32, #tpu.memory_space<hbm>> -> memref<200x64xf32, #tpu.memory_space<hbm>>
      %dma_start3A_243 = arith.constant 0 : i32
      %dma_start3A_244 = arith.constant 0 : i32
      %dma_start3A_245 = tpu.memref_slice %arg4[%add3A_238, %dma_start3A_243, %dma_start3A_244] : memref<4096x200x64xf32, #tpu.memory_space<hbm>> -> memref<1x200x64xf32, #tpu.memory_space<hbm>>
      %dma_start3A_246 = tpu.memref_squeeze %dma_start3A_245 : memref<1x200x64xf32, #tpu.memory_space<hbm>> -> memref<200x64xf32, #tpu.memory_space<hbm>>
      tpu.enqueue_dma source(%arg6 : memref<200x64xf32, #tpu.memory_space<vmem>>) target(%dma_start3A_246 : memref<200x64xf32, #tpu.memory_space<hbm>>) target_semaphore(%arg14 : memref<!tpu.dma_semaphore, #tpu.memory_space<semaphore_mem>>)
      %add3A_247 = arith.constant 3 : i32
      %add3A_248 = arith.addi %add3A_142, %add3A_247 : i32
      %dma_wait3A_249 = arith.constant 0 : i32
      %dma_wait3A_250 = arith.constant 0 : i32
      %dma_wait3A_251 = arith.constant 0 : i32
      %dma_wait3A_252 = tpu.memref_slice %arg4[%dma_wait3A_249, %dma_wait3A_250, %dma_wait3A_251] : memref<4096x200x64xf32, #tpu.memory_space<hbm>> -> memref<1x200x64xf32, #tpu.memory_space<hbm>>
      %dma_wait3A_253 = tpu.memref_squeeze %dma_wait3A_252 : memref<1x200x64xf32, #tpu.memory_space<hbm>> -> memref<200x64xf32, #tpu.memory_space<hbm>>
      %dma_wait3A_254 = arith.constant 0 : i32
      %dma_wait3A_255 = arith.constant 0 : i32
      %dma_wait3A_256 = tpu.memref_slice %arg4[%dma_wait3A_249, %dma_wait3A_254, %dma_wait3A_255] : memref<4096x200x64xf32, #tpu.memory_space<hbm>> -> memref<1x200x64xf32, #tpu.memory_space<hbm>>
      %dma_wait3A_257 = tpu.memref_squeeze %dma_wait3A_256 : memref<1x200x64xf32, #tpu.memory_space<hbm>> -> memref<200x64xf32, #tpu.memory_space<hbm>>
      tpu.wait_dma2 semaphore(%arg17 : memref<!tpu.dma_semaphore, #tpu.memory_space<semaphore_mem>>) src(%arg9 : memref<200x64xf32, #tpu.memory_space<vmem>>) dst(%dma_wait3A_257 : memref<200x64xf32, #tpu.memory_space<hbm>>)
      %dma_start3A_258 = arith.constant 0 : i32
      %dma_start3A_259 = tpu.memref_slice %arg5[%add3A_248, %dma_start3A_258] : memref<128x200xi32, #tpu.memory_space<vmem>> -> memref<1x200xi32, #tpu.memory_space<vmem>>
      %dma_start3A_260 = tpu.memref_squeeze %dma_start3A_259 : memref<1x200xi32, #tpu.memory_space<vmem>> -> memref<200xi32, #tpu.memory_space<vmem>>
      %dma_start3A_261 = arith.constant 0 : i32
      %dma_start3A_262 = arith.constant 0 : i32
      %dma_start3A_263 = tpu.memref_slice %arg3[%dma_start3A_261, %dma_start3A_262] : memref<1000000x64xf32, #tpu.memory_space<hbm>> -> memref<1000000x64xf32, #tpu.memory_space<hbm>>
      tpu.enqueue_indirect_dma source(%dma_start3A_263 : memref<1000000x64xf32, #tpu.memory_space<hbm>>) target(%arg9 : memref<200x64xf32, #tpu.memory_space<vmem>>) offsets(%dma_start3A_260 : memref<200xi32, #tpu.memory_space<vmem>>) semaphore(%arg13 : memref<!tpu.dma_semaphore, #tpu.memory_space<semaphore_mem>>)
      %dma_wait3A_264 = arith.constant 0 : i32
      %dma_wait3A_265 = arith.constant 0 : i32
      %dma_wait3A_266 = tpu.memref_slice %arg5[%dma_wait3A_264, %dma_wait3A_265] : memref<128x200xi32, #tpu.memory_space<vmem>> -> memref<1x200xi32, #tpu.memory_space<vmem>>
      %dma_wait3A_267 = tpu.memref_squeeze %dma_wait3A_266 : memref<1x200xi32, #tpu.memory_space<vmem>> -> memref<200xi32, #tpu.memory_space<vmem>>
      %dma_wait3A_268 = arith.constant 0 : i32
      %dma_wait3A_269 = arith.constant 0 : i32
      %dma_wait3A_270 = tpu.memref_slice %arg3[%dma_wait3A_268, %dma_wait3A_269] : memref<1000000x64xf32, #tpu.memory_space<hbm>> -> memref<1000000x64xf32, #tpu.memory_space<hbm>>
      tpu.wait_indirect_dma semaphore(%arg11 : memref<!tpu.dma_semaphore, #tpu.memory_space<semaphore_mem>>) src(%dma_wait3A_270 : memref<1000000x64xf32, #tpu.memory_space<hbm>>) dst(%arg7 : memref<200x64xf32, #tpu.memory_space<vmem>>)
      %sub3A_271 = arith.constant 2 : i32
      %sub3A_272 = arith.subi %add3A_248, %sub3A_271 : i32
      %add3A_273 = arith.addi %mul3A_2, %sub3A_272 : i32
      %dma_start3A_274 = arith.constant 0 : i32
      %dma_start3A_275 = arith.constant 0 : i32
      %dma_start3A_276 = tpu.memref_slice %arg4[%add3A_273, %dma_start3A_274, %dma_start3A_275] : memref<4096x200x64xf32, #tpu.memory_space<hbm>> -> memref<1x200x64xf32, #tpu.memory_space<hbm>>
      %dma_start3A_277 = tpu.memref_squeeze %dma_start3A_276 : memref<1x200x64xf32, #tpu.memory_space<hbm>> -> memref<200x64xf32, #tpu.memory_space<hbm>>
      %dma_start3A_278 = arith.constant 0 : i32
      %dma_start3A_279 = arith.constant 0 : i32
      %dma_start3A_280 = tpu.memref_slice %arg4[%add3A_273, %dma_start3A_278, %dma_start3A_279] : memref<4096x200x64xf32, #tpu.memory_space<hbm>> -> memref<1x200x64xf32, #tpu.memory_space<hbm>>
      %dma_start3A_281 = tpu.memref_squeeze %dma_start3A_280 : memref<1x200x64xf32, #tpu.memory_space<hbm>> -> memref<200x64xf32, #tpu.memory_space<hbm>>
      tpu.enqueue_dma source(%arg7 : memref<200x64xf32, #tpu.memory_space<vmem>>) target(%dma_start3A_281 : memref<200x64xf32, #tpu.memory_space<hbm>>) target_semaphore(%arg15 : memref<!tpu.dma_semaphore, #tpu.memory_space<semaphore_mem>>)
    }
    %scan3A_67 = arith.constant 31 : i32
    %dma_wait3A_68 = arith.constant 0 : i32
    %dma_wait3A_69 = arith.constant 0 : i32
    %dma_wait3A_70 = tpu.memref_slice %arg5[%dma_wait3A_68, %dma_wait3A_69] : memref<128x200xi32, #tpu.memory_space<vmem>> -> memref<1x200xi32, #tpu.memory_space<vmem>>
    %dma_wait3A_71 = tpu.memref_squeeze %dma_wait3A_70 : memref<1x200xi32, #tpu.memory_space<vmem>> -> memref<200xi32, #tpu.memory_space<vmem>>
    %dma_wait3A_72 = arith.constant 0 : i32
    %dma_wait3A_73 = arith.constant 0 : i32
    %dma_wait3A_74 = tpu.memref_slice %arg3[%dma_wait3A_72, %dma_wait3A_73] : memref<1000000x64xf32, #tpu.memory_space<hbm>> -> memref<1000000x64xf32, #tpu.memory_space<hbm>>
    tpu.wait_indirect_dma semaphore(%arg12 : memref<!tpu.dma_semaphore, #tpu.memory_space<semaphore_mem>>) src(%dma_wait3A_74 : memref<1000000x64xf32, #tpu.memory_space<hbm>>) dst(%arg8 : memref<200x64xf32, #tpu.memory_space<vmem>>)
    %add3A_75 = arith.constant 126 : i32
    %add3A_76 = arith.addi %mul3A_2, %add3A_75 : i32
    %dma_start3A_77 = arith.constant 0 : i32
    %dma_start3A_78 = arith.constant 0 : i32
    %dma_start3A_79 = tpu.memref_slice %arg4[%add3A_76, %dma_start3A_77, %dma_start3A_78] : memref<4096x200x64xf32, #tpu.memory_space<hbm>> -> memref<1x200x64xf32, #tpu.memory_space<hbm>>
    %dma_start3A_80 = tpu.memref_squeeze %dma_start3A_79 : memref<1x200x64xf32, #tpu.memory_space<hbm>> -> memref<200x64xf32, #tpu.memory_space<hbm>>
    %dma_start3A_81 = arith.constant 0 : i32
    %dma_start3A_82 = arith.constant 0 : i32
    %dma_start3A_83 = tpu.memref_slice %arg4[%add3A_76, %dma_start3A_81, %dma_start3A_82] : memref<4096x200x64xf32, #tpu.memory_space<hbm>> -> memref<1x200x64xf32, #tpu.memory_space<hbm>>
    %dma_start3A_84 = tpu.memref_squeeze %dma_start3A_83 : memref<1x200x64xf32, #tpu.memory_space<hbm>> -> memref<200x64xf32, #tpu.memory_space<hbm>>
    tpu.enqueue_dma source(%arg8 : memref<200x64xf32, #tpu.memory_space<vmem>>) target(%dma_start3A_84 : memref<200x64xf32, #tpu.memory_space<hbm>>) target_semaphore(%arg16 : memref<!tpu.dma_semaphore, #tpu.memory_space<semaphore_mem>>)
    %dma_wait3A_85 = arith.constant 0 : i32
    %dma_wait3A_86 = arith.constant 0 : i32
    %dma_wait3A_87 = tpu.memref_slice %arg5[%dma_wait3A_85, %dma_wait3A_86] : memref<128x200xi32, #tpu.memory_space<vmem>> -> memref<1x200xi32, #tpu.memory_space<vmem>>
    %dma_wait3A_88 = tpu.memref_squeeze %dma_wait3A_87 : memref<1x200xi32, #tpu.memory_space<vmem>> -> memref<200xi32, #tpu.memory_space<vmem>>
    %dma_wait3A_89 = arith.constant 0 : i32
    %dma_wait3A_90 = arith.constant 0 : i32
    %dma_wait3A_91 = tpu.memref_slice %arg3[%dma_wait3A_89, %dma_wait3A_90] : memref<1000000x64xf32, #tpu.memory_space<hbm>> -> memref<1000000x64xf32, #tpu.memory_space<hbm>>
    tpu.wait_indirect_dma semaphore(%arg13 : memref<!tpu.dma_semaphore, #tpu.memory_space<semaphore_mem>>) src(%dma_wait3A_91 : memref<1000000x64xf32, #tpu.memory_space<hbm>>) dst(%arg9 : memref<200x64xf32, #tpu.memory_space<vmem>>)
    %add3A_92 = arith.constant 127 : i32
    %add3A_93 = arith.addi %mul3A_2, %add3A_92 : i32
    %dma_start3A_94 = arith.constant 0 : i32
    %dma_start3A_95 = arith.constant 0 : i32
    %dma_start3A_96 = tpu.memref_slice %arg4[%add3A_93, %dma_start3A_94, %dma_start3A_95] : memref<4096x200x64xf32, #tpu.memory_space<hbm>> -> memref<1x200x64xf32, #tpu.memory_space<hbm>>
    %dma_start3A_97 = tpu.memref_squeeze %dma_start3A_96 : memref<1x200x64xf32, #tpu.memory_space<hbm>> -> memref<200x64xf32, #tpu.memory_space<hbm>>
    %dma_start3A_98 = arith.constant 0 : i32
    %dma_start3A_99 = arith.constant 0 : i32
    %dma_start3A_100 = tpu.memref_slice %arg4[%add3A_93, %dma_start3A_98, %dma_start3A_99] : memref<4096x200x64xf32, #tpu.memory_space<hbm>> -> memref<1x200x64xf32, #tpu.memory_space<hbm>>
    %dma_start3A_101 = tpu.memref_squeeze %dma_start3A_100 : memref<1x200x64xf32, #tpu.memory_space<hbm>> -> memref<200x64xf32, #tpu.memory_space<hbm>>
    tpu.enqueue_dma source(%arg9 : memref<200x64xf32, #tpu.memory_space<vmem>>) target(%dma_start3A_101 : memref<200x64xf32, #tpu.memory_space<hbm>>) target_semaphore(%arg17 : memref<!tpu.dma_semaphore, #tpu.memory_space<semaphore_mem>>)
    %dma_wait3A_102 = arith.constant 0 : i32
    %dma_wait3A_103 = arith.constant 0 : i32
    %dma_wait3A_104 = arith.constant 0 : i32
    %dma_wait3A_105 = tpu.memref_slice %arg4[%dma_wait3A_102, %dma_wait3A_103, %dma_wait3A_104] : memref<4096x200x64xf32, #tpu.memory_space<hbm>> -> memref<1x200x64xf32, #tpu.memory_space<hbm>>
    %dma_wait3A_106 = tpu.memref_squeeze %dma_wait3A_105 : memref<1x200x64xf32, #tpu.memory_space<hbm>> -> memref<200x64xf32, #tpu.memory_space<hbm>>
    %dma_wait3A_107 = arith.constant 0 : i32
    %dma_wait3A_108 = arith.constant 0 : i32
    %dma_wait3A_109 = tpu.memref_slice %arg4[%dma_wait3A_102, %dma_wait3A_107, %dma_wait3A_108] : memref<4096x200x64xf32, #tpu.memory_space<hbm>> -> memref<1x200x64xf32, #tpu.memory_space<hbm>>
    %dma_wait3A_110 = tpu.memref_squeeze %dma_wait3A_109 : memref<1x200x64xf32, #tpu.memory_space<hbm>> -> memref<200x64xf32, #tpu.memory_space<hbm>>
    tpu.wait_dma2 semaphore(%arg14 : memref<!tpu.dma_semaphore, #tpu.memory_space<semaphore_mem>>) src(%arg6 : memref<200x64xf32, #tpu.memory_space<vmem>>) dst(%dma_wait3A_110 : memref<200x64xf32, #tpu.memory_space<hbm>>)
    %dma_wait3A_111 = arith.constant 0 : i32
    %dma_wait3A_112 = arith.constant 0 : i32
    %dma_wait3A_113 = arith.constant 0 : i32
    %dma_wait3A_114 = tpu.memref_slice %arg4[%dma_wait3A_111, %dma_wait3A_112, %dma_wait3A_113] : memref<4096x200x64xf32, #tpu.memory_space<hbm>> -> memref<1x200x64xf32, #tpu.memory_space<hbm>>
    %dma_wait3A_115 = tpu.memref_squeeze %dma_wait3A_114 : memref<1x200x64xf32, #tpu.memory_space<hbm>> -> memref<200x64xf32, #tpu.memory_space<hbm>>
    %dma_wait3A_116 = arith.constant 0 : i32
    %dma_wait3A_117 = arith.constant 0 : i32
    %dma_wait3A_118 = tpu.memref_slice %arg4[%dma_wait3A_111, %dma_wait3A_116, %dma_wait3A_117] : memref<4096x200x64xf32, #tpu.memory_space<hbm>> -> memref<1x200x64xf32, #tpu.memory_space<hbm>>
    %dma_wait3A_119 = tpu.memref_squeeze %dma_wait3A_118 : memref<1x200x64xf32, #tpu.memory_space<hbm>> -> memref<200x64xf32, #tpu.memory_space<hbm>>
    tpu.wait_dma2 semaphore(%arg15 : memref<!tpu.dma_semaphore, #tpu.memory_space<semaphore_mem>>) src(%arg7 : memref<200x64xf32, #tpu.memory_space<vmem>>) dst(%dma_wait3A_119 : memref<200x64xf32, #tpu.memory_space<hbm>>)
    %dma_wait3A_120 = arith.constant 0 : i32
    %dma_wait3A_121 = arith.constant 0 : i32
    %dma_wait3A_122 = arith.constant 0 : i32
    %dma_wait3A_123 = tpu.memref_slice %arg4[%dma_wait3A_120, %dma_wait3A_121, %dma_wait3A_122] : memref<4096x200x64xf32, #tpu.memory_space<hbm>> -> memref<1x200x64xf32, #tpu.memory_space<hbm>>
    %dma_wait3A_124 = tpu.memref_squeeze %dma_wait3A_123 : memref<1x200x64xf32, #tpu.memory_space<hbm>> -> memref<200x64xf32, #tpu.memory_space<hbm>>
    %dma_wait3A_125 = arith.constant 0 : i32
    %dma_wait3A_126 = arith.constant 0 : i32
    %dma_wait3A_127 = tpu.memref_slice %arg4[%dma_wait3A_120, %dma_wait3A_125, %dma_wait3A_126] : memref<4096x200x64xf32, #tpu.memory_space<hbm>> -> memref<1x200x64xf32, #tpu.memory_space<hbm>>
    %dma_wait3A_128 = tpu.memref_squeeze %dma_wait3A_127 : memref<1x200x64xf32, #tpu.memory_space<hbm>> -> memref<200x64xf32, #tpu.memory_space<hbm>>
    tpu.wait_dma2 semaphore(%arg16 : memref<!tpu.dma_semaphore, #tpu.memory_space<semaphore_mem>>) src(%arg8 : memref<200x64xf32, #tpu.memory_space<vmem>>) dst(%dma_wait3A_128 : memref<200x64xf32, #tpu.memory_space<hbm>>)
    %dma_wait3A_129 = arith.constant 0 : i32
    %dma_wait3A_130 = arith.constant 0 : i32
    %dma_wait3A_131 = arith.constant 0 : i32
    %dma_wait3A_132 = tpu.memref_slice %arg4[%dma_wait3A_129, %dma_wait3A_130, %dma_wait3A_131] : memref<4096x200x64xf32, #tpu.memory_space<hbm>> -> memref<1x200x64xf32, #tpu.memory_space<hbm>>
    %dma_wait3A_133 = tpu.memref_squeeze %dma_wait3A_132 : memref<1x200x64xf32, #tpu.memory_space<hbm>> -> memref<200x64xf32, #tpu.memory_space<hbm>>
    %dma_wait3A_134 = arith.constant 0 : i32
    %dma_wait3A_135 = arith.constant 0 : i32
    %dma_wait3A_136 = tpu.memref_slice %arg4[%dma_wait3A_129, %dma_wait3A_134, %dma_wait3A_135] : memref<4096x200x64xf32, #tpu.memory_space<hbm>> -> memref<1x200x64xf32, #tpu.memory_space<hbm>>
    %dma_wait3A_137 = tpu.memref_squeeze %dma_wait3A_136 : memref<1x200x64xf32, #tpu.memory_space<hbm>> -> memref<200x64xf32, #tpu.memory_space<hbm>>
    tpu.wait_dma2 semaphore(%arg17 : memref<!tpu.dma_semaphore, #tpu.memory_space<semaphore_mem>>) src(%arg9 : memref<200x64xf32, #tpu.memory_space<vmem>>) dst(%dma_wait3A_137 : memref<200x64xf32, #tpu.memory_space<hbm>>)
    return
  }
}

</mosaic_0001>

<sc_bundles>
// kernel: kernel.3.cloned.1.call-start
scs
__scs_entry_jumppad:
0x0: {  	(pc) =	sbr.rel $0x88, $3  }
0x1: {  	(tag) =	ssettag $0x0;
	lr =	simm.s32 $0x1  }
0x2: {  	[smem:$0x3F9F] =	sst lr;
	_ =	strace $0xD0000000  }
0x3: {  	_ = 	snop  }
0x4: {  	_ = 	snop  }
0x5: {  	_ = 	snop  }
0x6: {  	_ = 	snop  }
0x7: {  	_ = 	snop  }
__scs_overlays_trampoline_lowered:
0x8: {  	[smem:$0x3FAE] =	sst s0  }
0x9: {  	[smem:$0x3FAF] =	sst s1  }
0xa: {  	[smem:$0x3FB0] =	sst s2  }
0xb: {  	[smem:$0x3FB1] =	sst s3  }
0xc: {  	[smem:$0x3FB2] =	sst s4  }
0xd: {  	[smem:$0x3FB3] =	sst s5  }
0xe: {  	[smem:$0x3FB4] =	sst s6  }
0xf: {  	[smem:$0x3FB5] =	sst s7  }
0x10: {  	[smem:$0x3FB6] =	sst s8  }
0x11: {  	[smem:$0x3FB7] =	sst s9;
	s0 =	simm.s32 @!p0 $0x0  }
0x12: {  	s1 =	sld [smem:$0x3F9D];
	s0 =	simm.s32 @p0 $0x1  }
0x13: {  	[smem:$0x3FB8] =	sst s0;
	s0 =	simm.s32 @!p1 $0x0  }
0x14: {  	s2 =	sld [smem:$0x3F9C];
	s0 =	simm.s32 @p1 $0x1  }
0x15: {  	[smem:$0x3FB9] =	sst s0;
	s0 =	simm.s32 @!p2 $0x0  }
0x16: {  	s3 =	sld [smem:$0x3FDB];
	s0 =	simm.s32 @p2 $0x1  }
0x17: {  	s4 =	simm.s32 $0x1BF5;
	[smem:$0x3FBB] =	sst s0  }
0x18: {  	s0 =	sld [smem:$0x3F9E];
	_ =	swait.ge [sflag:s4], $0x0  }
0x19: {  	s7 =	sld [smem:$0x3F9F]  }
0x1a: {  	s8 =	sadd.s32 $0xFFFFE003, lr  }
0x1b: {  	s9 =	sadd.s32 $0xFFFFFEF7, lr;
	s5 =	simm.s32 $0xFFFFFFFF;
	p2 =	slt.u32 s8, $0xFFFFF086  }
0x1c: {  	p1 =	slt.u32 s9, $0xF7A;
	s5 =	simm.s32 @!p2 $0x0  }
0x1d: {  	s5 =	simm.s32 @p1 $0x1;
	p0 =	seq.s32 s7, s2  }
0x1e: {  	s7 =	smul.u32 @!p0 $0xF7A, s2;
	p2 =	seq.s32 @!p0 s5, $0x0  }
0x1f: {  	s9 =	smul.u32 $0xF7A, s1;
	s8 =	simm.s32 @!p0 $0x1BF5;
	p2 =	por !p2, p0  }
0x20: {  	[sflag:s8] =	ssyncset.s32 @!p0 $0xFFFFF086;
	s6 =	sadd.s32 @!p0 s3, s7;
	s7 =	simm.s32 @!p0 $0x108  }
0x21: {  	s3 =	sadd.s32 s3, s9;
	s6 =	sadd.s32 @!p0 $0x88, s6;
	s7 =	simm.s32 @p2 $0x1082  }
0x22: {  	[simem:s7], [sflag:s8] =	dma.local @!p0 [hbm:s6], $0xF7A  }
0x23: {  	s9 =	sor.u32 $0xD0000000, s2;
	s6 =	simm.s32 $0x108;
	_ =	swait.ge @!p0 [sflag:s8], $0x0  }
0x24: {  	s3 =	sadd.s32 $0x88, s3;
	s6 =	simm.s32 @!p1 $0x1082;
	[sflag:s4] =	ssyncset.s32 $0xFFFFF086  }
0x25: {  	[simem:s6], [sflag:s4] =	dma.local [hbm:s3], $0xF7A  }
0x26: {  	[smem:$0x3F9F] =	sst s1;
	(tag) =	ssettag s2;
	_ =	strace s9  }
0x27: {  	s1 =	sld [smem:$0x3FAF]  }
0x28: {  	s2 =	sld [smem:$0x3FB0]  }
0x29: {  	s4 =	sld [smem:$0x3FB2]  }
0x2a: {  	p0 =	seq.s32 s5, $0x0;
	s5 =	sld [smem:$0x3FB3]  }
0x2b: {  	s6 =	sld [smem:$0x3FB4]  }
0x2c: {  	s7 =	sld [smem:$0x3FB5]  }
0x2d: {  	s3 =	simm.s32 $0x108;
	s8 =	sld [smem:$0x3FB6]  }
0x2e: {  	s3 =	simm.s32 @!p0 $0x1082;
	s9 =	sld [smem:$0x3FB7]  }
0x2f: {  	lr =	sadd.s32 s0, s3;
	s0 =	sld [smem:$0x3FAE]  }
0x30: {  	s3 =	sld [smem:$0x3FB1]  }
0x31: {  	[smem:$0x3FBA] =	sst s10  }
0x32: {  	s10 =	sld [smem:$0x3FB8];
	_ =	sdelay $0x3  }
0x33: {  	p0 =	seq.s32 s10, $0x1;
	s10 =	sld [smem:$0x3FBA];
	_ =	sdelay $0x3  }
0x34: {  	[smem:$0x3FBA] =	sst s10  }
0x35: {  	s10 =	sld [smem:$0x3FB9];
	_ =	sdelay $0x3  }
0x36: {  	p1 =	seq.s32 s10, $0x1;
	s10 =	sld [smem:$0x3FBA];
	_ =	sdelay $0x3  }
0x37: {  	[smem:$0x3FBA] =	sst s10  }
0x38: {  	s10 =	sld [smem:$0x3FBB]  }
0x39: {  	_ = 	snop;
	(pc) =	sbr.ind lr, $3  }
0x3a: {  	_ = 	snop  }
0x3b: {  	_ = 	snop  }
0x3c: {  	p2 =	seq.s32 s10, $0x1;
	s10 =	sld [smem:$0x3FBA]  }
0x3d: {  	_ =	shalt  }
0x3e: {  	_ =	shalt  }
0x3f: {  	_ =	shalt  }
0x40: {  	_ =	shalt  }
0x41: {  	_ =	shalt  }
0x42: {  	_ =	shalt  }
0x43: {  	_ =	shalt  }
0x44: {  	_ =	shalt  }
0x45: {  	_ =	shalt  }
0x46: {  	_ =	shalt  }
0x47: {  	_ =	shalt  }
0x48: {  	_ =	shalt  }
0x49: {  	_ =	shalt  }
0x4a: {  	_ =	shalt  }
0x4b: {  	_ =	shalt  }
0x4c: {  	_ =	shalt  }
0x4d: {  	_ =	shalt  }
0x4e: {  	_ =	shalt  }
0x4f: {  	_ =	shalt  }
0x50: {  	_ =	shalt  }
0x51: {  	_ =	shalt  }
0x52: {  	_ =	shalt  }
0x53: {  	_ =	shalt  }
0x54: {  	_ =	shalt  }
0x55: {  	_ =	shalt  }
0x56: {  	_ =	shalt  }
0x57: {  	_ =	shalt  }
0x58: {  	_ =	shalt  }
0x59: {  	_ =	shalt  }
0x5a: {  	_ =	shalt  }
0x5b: {  	_ =	shalt  }
0x5c: {  	_ =	shalt  }
0x5d: {  	_ =	shalt  }
0x5e: {  	_ =	shalt  }
0x5f: {  	_ =	shalt  }
0x60: {  	_ =	shalt  }
0x61: {  	_ =	shalt  }
0x62: {  	_ =	shalt  }
0x63: {  	_ =	shalt  }
0x64: {  	_ =	shalt  }
0x65: {  	_ =	shalt  }
0x66: {  	_ =	shalt  }
0x67: {  	_ =	shalt  }
0x68: {  	_ =	shalt  }
0x69: {  	_ =	shalt  }
0x6a: {  	_ =	shalt  }
0x6b: {  	_ =	shalt  }
0x6c: {  	_ =	shalt  }
0x6d: {  	_ =	shalt  }
0x6e: {  	_ =	shalt  }
0x6f: {  	_ =	shalt  }
0x70: {  	_ =	shalt  }
0x71: {  	_ =	shalt  }
0x72: {  	_ =	shalt  }
0x73: {  	_ =	shalt  }
0x74: {  	_ =	shalt  }
0x75: {  	_ =	shalt  }
0x76: {  	_ =	shalt  }
0x77: {  	_ =	shalt  }
0x78: {  	_ =	shalt  }
0x79: {  	_ =	shalt  }
0x7a: {  	_ =	shalt  }
0x7b: {  	_ =	shalt  }
0x7c: {  	_ =	shalt  }
0x7d: {  	_ =	shalt  }
0x7e: {  	_ =	shalt  }
0x7f: {  	_ =	shalt  }
0x80: {  	_ =	shalt  }
0x81: {  	_ =	shalt  }
0x82: {  	_ =	shalt  }
0x83: {  	_ =	shalt  }
0x84: {  	_ =	shalt  }
0x85: {  	_ =	shalt  }
0x86: {  	_ =	shalt  }
0x87: {  	_ =	shalt  }
.Lfunc_end0:
.L_simem_size_0:
called_computation.1_lowered:
.L_overlay_start_0:
0x88: {  	s2 =	sld [smem:$0x3FD9]  }
0x89: {  	s3 =	sld [smem:$0x3FFE];
	_ =	sdelay $0x1  }
0x8a: {  	s1 =	srdreg.scid  }
0x8b: {  	s0 =	sand.u32 $0x1, s1  }
0x8c: {  	s17 =	sshll.u32 s0, $0xA;
	s2 =	sadd.s32 s3, s2  }
0x8d: {  	s2 =	sadd.s32 s2, s17  }
0x8e: {  	[smem:$0x3FC6] =	sst s2  }
0x8f: {  	_ = 	snop  }
0x90: {  	s2 =	sld [smem:$0x3FD0];
	(tm) =	ssettm $0x1  }
0x91: {  	s18 =	sld [smem:$0x3FFB];
	_ =	sdelay $0x3  }
0x92: {  	_ =	strace s18  }
0x93: {  	s3 =	sld [smem:$0x3FFC];
	_ =	sdelay $0x3  }
0x94: {  	_ =	strace s3  }
0x95: {  	s3 =	sld [smem:$0x3FFD];
	_ =	sdelay $0x3  }
0x96: {  	_ =	strace s3  }
0x97: {  	_ =	strace $0x8FFFFFFF  }
0x98: {  	s19 =	sld [smem:$0x3FDB];
	_ =	sdelay $0x1  }
0x99: {  	s4 =	simm.s32 $_scs_section_size  }
0x9a: {  	s5 =	simm.s32 $_size__tile_overlayer_lowered;
	s6 =	simm.s32 $_tile_overlayer_lowered  }
0x9b: {  	s22 =	simm.s32 $0x1BFF;
	s21 =	sshll.u32 s6, $0x1;
	s3 =	sadd.s32 s4, s19  }
0x9c: {  	s7 =	simm.s32 $0x0;
	s20 =	sshll.u32 s5, $0x1;
	s5 =	sadd.s32 s21, s3  }
0x9d: {  	[timem:s7], [sflag:s22] =	dma.local [hbm:s5], s20  }
0x9e: {  	_ =	swait.ge [sflag:s22], s20  }
0x9f: {  	s4 =	ssub.s32 $0x0, s20;
	[sflag:s22] =	ssyncset.done $0x0  }
0xa0: {  	[sflag:s22] =	ssyncadd.s32 s4;
	_ =	sdelay $0x1  }
0xa1: {  	s23 =	simm.s32 $0x1B8B  }
0xa2: {  	_ =	swait.ge [sflag:s23], $0x1  }
0xa3: {  	[sflag:s23] =	ssyncset.done $0x0  }
0xa4: {  	s25 =	simm.s32 $0x1B8E;
	s24 =	sld [smem:$0x3FFE];
	[sflag:s23] =	ssyncadd.s32 $0xFFFFFFFF  }
0xa5: {  	s26 =	simm.s32 $execute0_lowered;
	[smem:$0x3FD2] =	sst s25  }
0xa6: {  	s5 =	sshll.u32 s26, $0x1;
	_ =	strace $0x80000046;
	[dreg:$0x1] =	wrdreg $0xFFFFFFFF  }
0xa7: {  	s28 =	simm.s32 $_size_execute0_lowered;
	s3 =	sadd.s32 s3, s5;
	[dreg:$0x0] =	wrdreg $0x0  }
0xa8: {  	s5 =	sshll.u32 s28, $0x1;
	[dreg:$0x2] =	wrdreg s3  }
0xa9: {  	[dreg:$0x3] =	wrdreg s5  }
0xaa: {  	[dreg:$0x4] =	wrdreg $0xC0  }
0xab: {  	_ =	task [dreg:s7], $0x5FFFF  }
0xac: {  	[dreg:$0x1] =	wrdreg $0xFFFFFFFF  }
0xad: {  	[dreg:$0x0] =	wrdreg $0x60  }
0xae: {  	[dreg:$0x2] =	wrdreg s24  }
0xaf: {  	[dreg:$0x3] =	wrdreg s2  }
0xb0: {  	[dreg:$0x4] =	wrdreg $0x9  }
0xb1: {  	_ =	task.clear_ibuf [dreg:s7], $0x5FFFF;
	_ =	strace $0x90000046  }
0xb2: {  	s29 =	simm.s32 $0x9;
	_ =	strace $0x80000048  }
0xb3: {  	_ =	swait.ge [sflag:s29], $0x1  }
0xb4: {  	[sflag:s29] =	ssyncadd.s32 $0xFFFFFFFF  }
0xb5: {  	_ =	strace $0x90000048  }
0xb6: {  	_ =	sfence  }
0xb7: {  	s30 =	sld [smem:$0x0];
	_ =	sdelay $0x2  }
0xb8: {  	s31 =	sshll.u32 s1, $0xD;
	s1 =	sshrl.u32 s1, $0x2  }
0xb9: {  	s3 =	sand.u32 $0x4000, s31;
	s1 =	sadd.s32 s1, s30  }
0xba: {  	s0 =	sor.u32 s3, s0;
	s1 =	sshll.u32 s1, $0x11  }
0xbb: {  	s0 =	sor.u32 s1, s0  }
0xbc: {  	s0 =	sadd.s32 $0x8F2B, s0  }
0xbd: {  	[sflag:s0] =	ssyncadd.remote.s32 $0x1  }
0xbe: {  	_ =	sfence.sel $0xFFFF  }
0xbf: {  	[dreg:$0x0] =	wrdreg $0xFFFFFFFF;
	(pc) =	sbr.abs _section_cstart, $3  }
0xc0: {  	[dreg:$0x1] =	wrdreg $0xFFFFFFFF  }
0xc1: {  	_ =	task.clear_ibuf [dreg:s7], $0x2FFFF;
	_ =	strace $0x9FFFFFFF  }
0xc2: {  	(tm) =	ssettm $0x7FFFFFFF  }
0xc3: {  	_ =	shalt  }
tec
execute0_lowered:
.L_overlay_start_1:
0x0: {  	(tag) =	ssettag $0x1  }
0x1: {  	s1 =	srdreg.scid;
	s3 =	rddreg [dreg:$0x0]  }
0x2: {  	s0 =	stileid.u32;
	s8 =	rddreg [dreg:$0x1]  }
0x3: {  	s2 =	simm.s32 $0x0;
	s13 =	simm.s32 $0x6400;
	s14 =	simm.s32 $0x9600  }
0x4: {  	s15 =	simm.s32 $0x190;
	s16 =	simm.s32 $0xC800;
	s17 =	simm.s32 $0x258  }
0x5: {  	s18 =	simm.s32 $0xFA00;
	s19 =	simm.s32 $0x1;
	s20 =	simm.s32 $0x2  }
0x6: {  	s21 =	simm.s32 $0x5;
	s22 =	simm.s32 $0x3;
	s23 =	simm.s32 $0x6  }
0x7: {  	s24 =	simm.s32 $0x4;
	s25 =	simm.s32 $0x7;
	s26 =	simm.s32 $0x8  }
0x8: {  	s28 =	simm.s32 $0x0;
	s6 =	sand.u32 $0x1, s1;
	s4 =	sshll.u32 s0, $0x8  }
0x9: {  	[smem:$0x7FF] =	sst s2;
	s11 =	smul.u32 $0x64000, s0;
	s5 =	sshll.u32 s6, $0x7  }
0xa: {  	s7 =	ssub.s32 $0x2, s6;
	s12 =	smul.u32 $0x32000, s6;
	s4 =	sor.u32 s5, s4  }
0xb: {  	_ =	strace $0x80000047;
	s9 =	sshrl.u32 s7, $0x1;
	s5 =	smul.u32 $0x19, s4  }
0xc: {  	s11 =	sadd.s32 s11, s8;
	s10 =	smul.u32 $0x3200, s4;
	s9 =	ssub.s32 s7, s9  }
0xd: {  	s30 =	smul.u32 $0x640, s4;
	s31 =	sadd.s32 s12, s11;
	s11 =	simm.s32 $0x9  }
0xe: {  	s12 =	simm.s32 $0xC8;
	s9 =	smax.u32 s9, $0x1;
	s5 =	sadd.s32 s5, s3  }
0xf: {  	s10 =	sshrl.u32 s10, $0x3;
	s4 =	sadd.s32 $0xA00, s5;
	s5 =	sadd.s32 s8, s30  }
0x10: {  	s3 =	sadd.s32 $0xF42E00, s3;
	s10 =	sadd.s32 s8, s10;
	s6 =	sadd.s32 $0x640, s5  }
0x11: {  	s7 =	sadd.s32 $0x31380, s10;
	s8 =	sadd.s32 $0x319C0, s10;
	s10 =	sadd.s32 $0x12C0, s31  }
.LBB2_1:
0x12: {  	[tilespmem:s2], [sflag:$0x9] =	stream.linear.gather [hbm4b:s4+s2], $0x6400, $0x38;
	[tilespmem:$0x12C00] =	vst v63  }
0x13: {  	_ =	swait.ge [sflag:s11], $0x6400  }
0x14: {  	[sflag:s11] =	ssyncset.done $0x0  }
0x15: {  	[sflag:s11] =	ssyncadd.s32 $0xFFFF9C00  }
0x16: {  	[tilespmem:s13], [sflag:$0x1] =	stream.indirect.gather [hbm4b:s3+s12], $0x40, s2, s12, $0xb8;
	[tilespmem:$0x12C00] =	vst v63  }
0x17: {  	_ = 	snop  }
0x18: {  	[tilespmem:s14], [sflag:$0x2] =	stream.indirect.gather [hbm4b:s3+s12], $0x40, s12, s12, $0xb8;
	[tilespmem:$0x12C00] =	vst v63  }
0x19: {  	_ = 	snop  }
0x1a: {  	[tilespmem:s16], [sflag:$0x3] =	stream.indirect.gather [hbm4b:s3+s12], $0x40, s15, s12, $0xb8;
	[tilespmem:$0x12C00] =	vst v63  }
0x1b: {  	_ = 	snop  }
0x1c: {  	[tilespmem:s18], [sflag:$0x4] =	stream.indirect.gather [hbm4b:s3+s12], $0x40, s17, s12, $0xb8;
	[tilespmem:$0x12C00] =	vst v63  }
0x1d: {  	_ =	swait.ge [sflag:s19], $0x3200  }
0x1e: {  	[sflag:s19] =	ssyncset.done $0x0  }
0x1f: {  	[sflag:s19] =	ssyncadd.s32 $0xFFFFCE00  }
0x20: {  	[hbm4b:s5+s2] =	stream.linear.scatter [tilespmem:s13], [sflag:$0x5], $0x3200, $0x38;
	[tilespmem:$0x12C00] =	vst v63  }
0x21: {  	_ =	swait.ge [sflag:s20], $0x3200  }
0x22: {  	[sflag:s20] =	ssyncset.done $0x0  }
0x23: {  	[sflag:s20] =	ssyncadd.s32 $0xFFFFCE00  }
0x24: {  	[hbm4b:s6+s2] =	stream.linear.scatter [tilespmem:s14], [sflag:$0x6], $0x3200, $0x38;
	[tilespmem:$0x12C00] =	vst v63  }
0x25: {  	_ =	swait.ge [sflag:s21], $0x3200  }
0x26: {  	[sflag:s21] =	ssyncset.done $0x0  }
0x27: {  	s29 =	simm.s32 $0x320;
	[sflag:s21] =	ssyncadd.s32 $0xFFFFCE00  }
0x28: {  	[tilespmem:s13], [sflag:$0x1] =	stream.indirect.gather [hbm4b:s3+s12], $0x40, s29, s12, $0xb8;
	[tilespmem:$0x12C00] =	vst v63  }
0x29: {  	_ =	swait.ge [sflag:s22], $0x3200  }
0x2a: {  	[sflag:s22] =	ssyncset.done $0x0  }
0x2b: {  	s29 =	sadd.s32 $0xFFFFF9C0, s10;
	[sflag:s22] =	ssyncadd.s32 $0xFFFFCE00  }
0x2c: {  	[hbm4b:s29+s2] =	stream.linear.scatter [tilespmem:s16], [sflag:$0x7], $0x3200, $0x38;
	[tilespmem:$0x12C00] =	vst v63  }
0x2d: {  	_ =	swait.ge [sflag:s23], $0x3200  }
0x2e: {  	[sflag:s23] =	ssyncset.done $0x0  }
0x2f: {  	s29 =	simm.s32 $0x3E8;
	[sflag:s23] =	ssyncadd.s32 $0xFFFFCE00  }
0x30: {  	[tilespmem:s14], [sflag:$0x2] =	stream.indirect.gather [hbm4b:s3+s12], $0x40, s29, s12, $0xb8;
	[tilespmem:$0x12C00] =	vst v63  }
0x31: {  	_ =	swait.ge [sflag:s24], $0x3200  }
0x32: {  	[sflag:s24] =	ssyncset.done $0x0  }
0x33: {  	[sflag:s24] =	ssyncadd.s32 $0xFFFFCE00  }
0x34: {  	[hbm4b:s10+s2] =	stream.linear.scatter [tilespmem:s18], [sflag:$0x8], $0x3200, $0x38;
	[tilespmem:$0x12C00] =	vst v63  }
0x35: {  	_ =	swait.ge [sflag:s25], $0x3200  }
0x36: {  	[sflag:s25] =	ssyncset.done $0x0  }
0x37: {  	s29 =	simm.s32 $0x4B0;
	[sflag:s25] =	ssyncadd.s32 $0xFFFFCE00  }
0x38: {  	[tilespmem:s16], [sflag:$0x3] =	stream.indirect.gather [hbm4b:s3+s12], $0x40, s29, s12, $0xb8;
	[tilespmem:$0x12C00] =	vst v63  }
0x39: {  	_ =	swait.ge [sflag:s19], $0x3200  }
0x3a: {  	[sflag:s19] =	ssyncset.done $0x0  }
0x3b: {  	s29 =	sadd.s32 $0x640, s10;
	[sflag:s19] =	ssyncadd.s32 $0xFFFFCE00  }
0x3c: {  	[hbm4b:s29+s2] =	stream.linear.scatter [tilespmem:s13], [sflag:$0x5], $0x3200, $0x38;
	[tilespmem:$0x12C00] =	vst v63  }
0x3d: {  	_ =	swait.ge [sflag:s26], $0x3200  }
0x3e: {  	[sflag:s26] =	ssyncset.done $0x0  }
0x3f: {  	s29 =	simm.s32 $0x578;
	[sflag:s26] =	ssyncadd.s32 $0xFFFFCE00  }
0x40: {  	[tilespmem:s18], [sflag:$0x4] =	stream.indirect.gather [hbm4b:s3+s12], $0x40, s29, s12, $0xb8;
	[tilespmem:$0x12C00] =	vst v63  }
0x41: {  	_ =	swait.ge [sflag:s20], $0x3200  }
0x42: {  	s31 =	sadd.s32 $0xC80, s10;
	[sflag:s20] =	ssyncset.done $0x0  }
0x43: {  	s30 =	sadd.s32 $0x1900, s10;
	s29 =	simm.s32 $0xC80;
	[sflag:s20] =	ssyncadd.s32 $0xFFFFCE00  }
.LBB2_2:
0x44: {  	[hbm4b:s31+s2] =	stream.linear.scatter [tilespmem:s14], [sflag:$0x6], $0x3200, $0x38;
	[tilespmem:$0x12C00] =	vst v63  }
0x45: {  	s31 =	smov.u32 s29  }
0x46: {  	p0 =	sne.s32 s29, $0x17700;
	s29 =	sadd.s32 $0xC80, s29;
	_ =	swait.ge [sflag:s21], $0x3200  }
0x47: {  	s31 =	sshra.s32 s31, $0x2;
	[sflag:s21] =	ssyncset.done $0x0  }
0x48: {  	s1 =	sadd.s32 $0x320, s31;
	[sflag:s21] =	ssyncadd.s32 $0xFFFFCE00  }
0x49: {  	[tilespmem:s13], [sflag:$0x1] =	stream.indirect.gather [hbm4b:s3+s12], $0x40, s1, s12, $0xb8;
	[tilespmem:$0x12C00] =	vst v63  }
0x4a: {  	_ =	swait.ge [sflag:s22], $0x3200  }
0x4b: {  	[sflag:s22] =	ssyncset.done $0x0  }
0x4c: {  	s1 =	sadd.s32 $0xFFFFF9C0, s30;
	[sflag:s22] =	ssyncadd.s32 $0xFFFFCE00  }
0x4d: {  	[hbm4b:s1+s2] =	stream.linear.scatter [tilespmem:s16], [sflag:$0x7], $0x3200, $0x38;
	[tilespmem:$0x12C00] =	vst v63  }
0x4e: {  	_ =	swait.ge [sflag:s23], $0x3200  }
0x4f: {  	[sflag:s23] =	ssyncset.done $0x0  }
0x50: {  	s1 =	sadd.s32 $0x3E8, s31;
	[sflag:s23] =	ssyncadd.s32 $0xFFFFCE00  }
0x51: {  	[tilespmem:s14], [sflag:$0x2] =	stream.indirect.gather [hbm4b:s3+s12], $0x40, s1, s12, $0xb8;
	[tilespmem:$0x12C00] =	vst v63  }
0x52: {  	_ =	swait.ge [sflag:s24], $0x3200  }
0x53: {  	[sflag:s24] =	ssyncset.done $0x0  }
0x54: {  	[sflag:s24] =	ssyncadd.s32 $0xFFFFCE00  }
0x55: {  	[hbm4b:s30+s2] =	stream.linear.scatter [tilespmem:s18], [sflag:$0x8], $0x3200, $0x38;
	[tilespmem:$0x12C00] =	vst v63  }
0x56: {  	_ =	swait.ge [sflag:s25], $0x3200  }
0x57: {  	[sflag:s25] =	ssyncset.done $0x0  }
0x58: {  	s1 =	sadd.s32 $0x4B0, s31;
	[sflag:s25] =	ssyncadd.s32 $0xFFFFCE00  }
0x59: {  	[tilespmem:s16], [sflag:$0x3] =	stream.indirect.gather [hbm4b:s3+s12], $0x40, s1, s12, $0xb8;
	[tilespmem:$0x12C00] =	vst v63  }
0x5a: {  	_ =	swait.ge [sflag:s19], $0x3200  }
0x5b: {  	[sflag:s19] =	ssyncset.done $0x0  }
0x5c: {  	s1 =	sadd.s32 $0x640, s30;
	[sflag:s19] =	ssyncadd.s32 $0xFFFFCE00  }
0x5d: {  	[hbm4b:s1+s2] =	stream.linear.scatter [tilespmem:s13], [sflag:$0x5], $0x3200, $0x38;
	[tilespmem:$0x12C00] =	vst v63  }
0x5e: {  	_ =	swait.ge [sflag:s26], $0x3200  }
0x5f: {  	[sflag:s26] =	ssyncset.done $0x0  }
.Ltmp0:
0x60: {  	s1 =	sadd.s32 $0x578, s31;
	[sflag:s26] =	ssyncadd.s32 $0xFFFFCE00;
	(pc) =	sbr.rel @p0 .LBB2_2-.Ltmp0, $4  }
0x61: {  	[tilespmem:s18], [sflag:$0x4] =	stream.indirect.gather [hbm4b:s3+s12], $0x40, s1, s12, $0xb8;
	[tilespmem:$0x12C00] =	vst v63  }
0x62: {  	_ =	swait.ge [sflag:s20], $0x3200  }
0x63: {  	[sflag:s20] =	ssyncset.done $0x0  }
0x64: {  	s31 =	sadd.s32 $0xC80, s30;
	s30 =	sadd.s32 $0x1900, s30;
	[sflag:s20] =	ssyncadd.s32 $0xFFFFCE00  }
0x65: {  	[hbm4b:s31+s2] =	stream.linear.scatter [tilespmem:s14], [sflag:$0x6], $0x3200, $0x38;
	[tilespmem:$0x12C00] =	vst v63  }
0x66: {  	_ =	swait.ge [sflag:s22], $0x3200  }
0x67: {  	[sflag:s22] =	ssyncset.done $0x0  }
0x68: {  	[sflag:s22] =	ssyncadd.s32 $0xFFFFCE00  }
0x69: {  	[hbm4b:s7+s2] =	stream.linear.scatter [tilespmem:s16], [sflag:$0x7], $0x3200, $0x38;
	[tilespmem:$0x12C00] =	vst v63  }
0x6a: {  	_ =	swait.ge [sflag:s24], $0x3200  }
0x6b: {  	[sflag:s24] =	ssyncset.done $0x0  }
0x6c: {  	[sflag:s24] =	ssyncadd.s32 $0xFFFFCE00  }
0x6d: {  	[hbm4b:s8+s2] =	stream.linear.scatter [tilespmem:s18], [sflag:$0x8], $0x3200, $0x38;
	[tilespmem:$0x12C00] =	vst v63  }
0x6e: {  	_ =	swait.ge [sflag:s21], $0x3200  }
0x6f: {  	[sflag:s21] =	ssyncset.done $0x0  }
0x70: {  	[sflag:s21] =	ssyncadd.s32 $0xFFFFCE00  }
0x71: {  	_ =	swait.ge [sflag:s23], $0x3200  }
0x72: {  	[sflag:s23] =	ssyncset.done $0x0  }
0x73: {  	s28 =	sadd.s32 $0x1, s28;
	[sflag:s23] =	ssyncadd.s32 $0xFFFFCE00  }
0x74: {  	p0 =	sne.s32 s28, s9;
	_ =	swait.ge [sflag:s25], $0x3200  }
.Ltmp1:
0x75: {  	[sflag:s25] =	ssyncset.done $0x0;
	(pc) =	sbr.rel @p0 .LBB2_1-.Ltmp1, $4  }
0x76: {  	[sflag:s25] =	ssyncadd.s32 $0xFFFFCE00  }
0x77: {  	_ =	swait.ge [sflag:s26], $0x3200  }
0x78: {  	[sflag:s26] =	ssyncset.done $0x0  }
0x79: {  	[sflag:s26] =	ssyncadd.s32 $0xFFFFCE00  }
0x7a: {  	_ =	sfence.sel $0x180000  }
0x7b: {  	[bflag:$0x0] =	sbarrier.arrive $0xFFFF  }
0x7c: {  	_ =	strace $0x90000047  }
0x7d: {  	[bflag:$0x2] =	sbarrier.arrive $0xFFFF  }
0x7e: {  	p0 =	sne.s32 s0, $0x0;
	s0 =	rddreg [dreg:$0x2]  }
0x7f: {  	s0 =	sadd.s32 @!p0 $0x100000, s0  }
0x80: {  	[sflag:s0] =	ssyncadd.tile.s32 @!p0 $0x1;
	_ =	shalt  }
.Lfunc_end2:
_tile_overlayer_lowered:
.L_overlay_start_2:
0x81: {  	(tag) =	ssettag $0x2  }
0x82: {  	s0 =	rddreg [dreg:$0x0];
	s2 =	stileid.u32  }
0x83: {  	s1 =	rddreg [dreg:$0x1];
	p0 =	sne.s32 s2, $0x0  }
0x84: {  	s3 =	rddreg [dreg:$0x2];
	[bflag:$0x3] =	sbarrier.arrive $0xFFFF;
	s2 =	simm.s32 @!p0 $0x1C09  }
0x85: {  	[timem:s3], [sflag:s2] =	dma.local @!p0 [hbm:s0], s1  }
0x86: {  	s0 =	simm.s32 @!p0 $0x9  }
0x87: {  	_ =	swait.ge @!p0 [sflag:s0], s1  }
0x88: {  	s1 =	ssub.s32 @!p0 $0x0, s1;
	[sflag:s0] =	ssyncset.done @!p0 $0x0  }
0x89: {  	[sflag:s0] =	ssyncadd.s32 @!p0 s1  }
0x8a: {  	[bflag:$0x3] =	sbarrier.arrive $0xFFFF  }
0x8b: {  	_ =	shalt  }

// kernel: sparse-core-data-format-call.cloned.1.call-start
scs
called_computation_lowered:
.L_overlay_start_0:
0x0: {  	s2 =	sld [smem:$0x3FD9]  }
0x1: {  	s3 =	sld [smem:$0x3FFE];
	_ =	sdelay $0x1  }
0x2: {  	s1 =	srdreg.scid  }
0x3: {  	s0 =	sand.u32 $0x1, s1  }
0x4: {  	s18 =	sshll.u32 s0, $0xA;
	s2 =	sadd.s32 s3, s2  }
0x5: {  	s2 =	sadd.s32 s2, s18  }
0x6: {  	[smem:$0x3FC6] =	sst s2  }
0x7: {  	_ = 	snop  }
0x8: {  	s2 =	sld [smem:$0x3FD0];
	(tm) =	ssettm $0x1  }
0x9: {  	s19 =	sld [smem:$0x3FFB];
	_ =	sdelay $0x3  }
0xa: {  	_ =	strace s19  }
0xb: {  	s3 =	sld [smem:$0x3FFC];
	_ =	sdelay $0x3  }
0xc: {  	_ =	strace s3  }
0xd: {  	s3 =	sld [smem:$0x3FFD];
	_ =	sdelay $0x3  }
0xe: {  	_ =	strace s3  }
0xf: {  	_ =	strace $0x8FFFFFFF  }
0x10: {  	s20 =	sld [smem:$0x3FDB];
	_ =	sdelay $0x1  }
0x11: {  	s4 =	simm.s32 $_scs_section_size  }
0x12: {  	s5 =	simm.s32 $_size__tile_overlayer_lowered;
	s6 =	simm.s32 $_tile_overlayer_lowered  }
0x13: {  	s23 =	simm.s32 $0x1BFF;
	s22 =	sshll.u32 s6, $0x1;
	s3 =	sadd.s32 s4, s20  }
0x14: {  	s7 =	simm.s32 $0x0;
	s21 =	sshll.u32 s5, $0x1;
	s5 =	sadd.s32 s22, s3  }
0x15: {  	[timem:s7], [sflag:s23] =	dma.local [hbm:s5], s21  }
0x16: {  	_ =	swait.ge [sflag:s23], s21  }
0x17: {  	s4 =	ssub.s32 $0x0, s21;
	[sflag:s23] =	ssyncset.done $0x0  }
0x18: {  	[sflag:s23] =	ssyncadd.s32 s4;
	_ =	sdelay $0x1  }
0x19: {  	s24 =	simm.s32 $0x1B8B  }
0x1a: {  	_ =	swait.ge [sflag:s24], $0x1  }
0x1b: {  	[sflag:s24] =	ssyncset.done $0x0  }
0x1c: {  	s26 =	simm.s32 $0x1B8E;
	s25 =	sld [smem:$0x3FFE];
	[sflag:s24] =	ssyncadd.s32 $0xFFFFFFFF  }
0x1d: {  	s27 =	simm.s32 $execute0_lowered;
	[smem:$0x3FD2] =	sst s26  }
0x1e: {  	s5 =	sshll.u32 s27, $0x1;
	_ =	strace $0x80000049;
	[dreg:$0x1] =	wrdreg $0xFFFFFFFF  }
0x1f: {  	s28 =	simm.s32 $_size_execute0_lowered;
	s3 =	sadd.s32 s3, s5;
	[dreg:$0x0] =	wrdreg $0x0  }
0x20: {  	s5 =	sshll.u32 s28, $0x1;
	[dreg:$0x2] =	wrdreg s3  }
0x21: {  	[dreg:$0x3] =	wrdreg s5  }
0x22: {  	[dreg:$0x4] =	wrdreg $0xC0  }
0x23: {  	_ =	task [dreg:s7], $0x5FFFF  }
0x24: {  	[dreg:$0x1] =	wrdreg $0xFFFFFFFF  }
0x25: {  	[dreg:$0x0] =	wrdreg $0x60  }
0x26: {  	[dreg:$0x2] =	wrdreg s25  }
0x27: {  	[dreg:$0x3] =	wrdreg s2  }
0x28: {  	[dreg:$0x4] =	wrdreg $0x9  }
0x29: {  	_ =	task.clear_ibuf [dreg:s7], $0x5FFFF;
	_ =	strace $0x90000049  }
0x2a: {  	s29 =	simm.s32 $0x9;
	_ =	strace $0x8000004B  }
0x2b: {  	_ =	swait.ge [sflag:s29], $0x1  }
0x2c: {  	[sflag:s29] =	ssyncadd.s32 $0xFFFFFFFF  }
0x2d: {  	_ =	strace $0x9000004B  }
0x2e: {  	_ =	sfence  }
0x2f: {  	s30 =	sld [smem:$0x0];
	_ =	sdelay $0x2  }
0x30: {  	s31 =	sshll.u32 s1, $0xD;
	s1 =	sshrl.u32 s1, $0x2  }
0x31: {  	s3 =	sand.u32 $0x4000, s31;
	s1 =	sadd.s32 s1, s30  }
0x32: {  	s0 =	sor.u32 s3, s0;
	s1 =	sshll.u32 s1, $0x11  }
0x33: {  	s0 =	sor.u32 s1, s0  }
0x34: {  	s0 =	sadd.s32 $0x8F2B, s0  }
0x35: {  	[sflag:s0] =	ssyncadd.remote.s32 $0x1  }
0x36: {  	_ =	sfence.sel $0xFFFF  }
0x37: {  	[dreg:$0x0] =	wrdreg $0xFFFFFFFF;
	(pc) =	sbr.abs _section_cstart, $3  }
0x38: {  	[dreg:$0x1] =	wrdreg $0xFFFFFFFF  }
0x39: {  	_ =	task.clear_ibuf [dreg:s7], $0x2FFFF;
	_ =	strace $0x9FFFFFFF  }
0x3a: {  	(tm) =	ssettm $0x7FFFFFFF  }
0x3b: {  	_ =	shalt  }
tec
execute0_lowered:
.L_overlay_start_1:
0x0: {  	(tag) =	ssettag $0x1  }
0x1: {  	s0 =	srdreg.scid  }
0x2: {  	s1 =	sshll.u32 s0, $0x4  }
0x3: {  	s0 =	stileid.u32;
	s1 =	sand.u32 $0x10, s1  }
0x4: {  	s1 =	sor.u32 s0, s1  }
0x5: {  	s6 =	rddreg [dreg:$0x0];
	s4 =	simm.s32 $0x1;
	s2 =	sshll.u32 s1, $0x7  }
0x6: {  	s7 =	simm.s32 $0x2;
	s12 =	simm.s32 $0x0;
	s1 =	ssub.s32 $0x1000, s2  }
0x7: {  	s8 =	simm.s32 $0x8000;
	s13 =	simm.s32 $0x0;
	s3 =	sand.u32 $0xF80, s1  }
0x8: {  	s9 =	simm.s32 $0x0;
	s5 =	sshrl.u32 s1, $0xC;
	p0 =	sne.s32 s3, $0x0  }
.Ltmp0:
0x9: {  	s1 =	rddreg [dreg:$0x2];
	s4 =	simm.s32 @!p0 $0x0;
	(pc) =	sbr.rel .LBB1_1-.Ltmp0, $4  }
0xa: {  	s11 =	simm.s32 $0x0;
	s3 =	rddreg [dreg:$0x1];
	s5 =	sadd.s32 s4, s5  }
0xb: {  	_ =	strace $0x8000004A;
	s4 =	simm.s32 $0x1;
	s5 =	smul.u32 $0xC8, s5  }
0xc: {  	s6 =	sadd.s32 $0xA00, s6;
	s10 =	smov.u32 s2;
	[sflag:s4] =	ssyncpa.u1 $0x0  }
0xd: {  	p0 =	por $0x0, $0x0;
	[sflag:s7] =	ssyncpa.u1 $0x0;
	s7 =	sor.u32 $0x1, s5  }
.LBB1_4:
0xe: {  	s16 =	sshll.u32 s13, $0x3;
	s17 =	sand.u32 $0x78, s13  }
0xf: {  	s30 =	sand.u32 $0x7E00, s13;
	s12 =	sshll.u32 s12, $0xF;
	s16 =	sand.u32 $0xC00, s16  }
0x10: {  	[tilespmem:s15+$0x810 ss:$0x81] =	vst.msk $0xffff, v2;
	s31 =	sand.u32 $0x7, s13;
	s16 =	sor.u32 s17, s16;
	s17 =	sadd.s32 s3, s30  }
0x11: {  	[tilespmem:s15+$0x1020 ss:$0x81] =	vst.msk $0xffff, v0;
	s13 =	sshll.u32 s31, $0x12;
	s12 =	sadd.s32 s12, s17;
	s16 =	sshrl.u32 s16, $0x3  }
0x12: {  	[tilespmem:s15+$0x0 ss:$0x81] =	vst.msk $0xffff, v1;
	s13 =	sor.u32 $0x400, s13;
	s12 =	sadd.s32 s16, s12  }
0x13: {  	[hbm4b:s12+s13] =	stream.strided.scatter [tilespmem:s14], [sflag:$0x2], $0x2000, s8, s13, $0x20;
	[tilespmem:$0x8080] =	vst v63  }
.LBB1_5:
0x14: {  	s14 =	sadd.s32 $0x1, s9  }
0x15: {  	s12 =	sadd.s32 $0x1000, s10;
	s16 =	smov.u32 s10;
	p2 =	sgt.s32 s14, $0xC7  }
0x16: {  	s16 =	smov.u32 @p2 s12  }
0x17: {  	s14 =	simm.s32 @p2 $0x0;
	p2 =	sgt.s32 s16, $0xFFF  }
0x18: {  	s16 =	smov.u32 @p2 s2;
	p2 =	sne.s32 s11, s7  }
.Ltmp1:
0x19: {  	p1 =	slt.u32 s11, $0x2;
	(pc) =	sbr.rel @!p2 .LBB1_6-.Ltmp1, $4  }
0x1a: {  	s15 =	simm.s32 @!p1 $0x2  }
0x1b: {  	s13 =	smov.u32 s10;
	p0 =	por !p0, !p0;
	_ =	swait.ge @!p1 [sflag:s15], $0x2000  }
0x1c: {  	s12 =	smov.u32 s9;
	[sflag:s15] =	ssyncset.done @!p1 $0x0;
	s9 =	smov.u32 s14  }
0x1d: {  	s11 =	sadd.s32 $0x1, s11;
	[sflag:s15] =	ssyncadd.s32 @!p1 $0xFFFFE000;
	s10 =	smov.u32 s16  }
.LBB1_1:
0x1e: {  	p1 =	sge.u32 s11, s5  }
0x1f: {  	s14 =	sand.u32 @!p1 $0x1FFFFFF, s9  }
0x20: {  	s15 =	smulhi.u32 @!p1 $0x147AE15, s14;
	_ =	sdelay $0x1  }
0x21: {  	s15 =	smul.u32 @!p1 $0xC8, s15  }
0x22: {  	s16 =	sxor.u32 @!p1 $0xFFFFFFFF, s11;
	s17 =	smul.u32 @!p1 $0xC80, s10  }
0x23: {  	s31 =	sadd.s32 $0xFFFFFFFF, s11;
	s16 =	sshll.u32 @!p1 s16, $0xD;
	s14 =	ssub.s32 @!p1 s14, s15  }
0x24: {  	s15 =	sand.u32 @!p1 $0x2000, s16;
	s16 =	sadd.s32 @!p1 s6, s17;
	s14 =	sshll.u32 @!p1 s14, $0x4  }
0x25: {  	s17 =	simm.s32 @!p1 $0x6400;
	s14 =	sadd.s32 @!p1 s14, s16;
	s16 =	simm.s32 @!p1 $0x40  }
0x26: {  	[tilespmem:s15], [sflag:$0x1] =	stream.strided.gather @!p1 [hbm4b:s14+s16], $0x2000, s17, s16, $0x38;
	[tilespmem:$0x8080] =	vst v63  }
0x27: {  	p1 =	sge.u32 s31, s5  }
.Ltmp2:
0x28: {  	_ = 	snop;
	(pc) =	sbr.rel @p1 .LBB1_5-.Ltmp2, $1  }
0x29: {  	_ =	sdelay $0x3  }
0x2a: {  	s14 =	simm.s32 $0x1  }
0x2b: {  	_ =	swait.ge [sflag:s4], $0x2000;
	s14 =	simm.s32 @!p0 $0x0  }
0x2c: {  	[sflag:s4] =	ssyncset.done $0x0;
	s15 =	sshll.u32 s14, $0xD  }
0x2d: {  	[sflag:s4] =	ssyncadd.s32 $0xFFFFE000;
	s18 =	sor.u32 $0x20, s15  }
0x2e: {  	s14 =	smul.u32 $0x8100, s14;
	v3 =	vld [tilespmem:s18+$0x10]  }
0x2f: {  	s30 =	sand.u32 $0x1, s11;
	v2 =	vld [tilespmem:s18+$0xFFFFFFF0]  }
0x30: {  	s15 =	smul.u32 $0x8100, s30;
	s14 =	sshrl.u32 s14, $0x2;
	v0 =	vld [tilespmem:s18+$0x0]  }
0x31: {  	v1 =	vld [tilespmem:s18+$0xFFFFFFE0];
	s16 =	sor.u32 $0x4000, s14  }
0x32: {  	s31 =	sshrl.u32 s15, $0x2;
	s15 =	sadd.s32 $0x0, s16  }
0x33: {  	s17 =	simm.s32 $0x4;
	s18 =	sadd.s32 $0x40, s18;
	s14 =	sor.u32 $0x4000, s31;
	[tilespmem:s15+$0x1830 ss:$0x81] =	vst.msk $0xffff, v3  }
.LBB1_3:
0x34: {  	v3 =	vld [tilespmem:s18+$0x10];
	p1 =	sne.s32 s17, $0x1FC;
	[tilespmem:s15+$0x810 ss:$0x81] =	vst.msk $0xffff, v2;
	s19 =	smov.u32 s17;
	s17 =	sadd.s32 $0x4, s17  }
.Ltmp3:
0x35: {  	v2 =	vld [tilespmem:s18+$0xFFFFFFF0];
	[tilespmem:s15+$0x1020 ss:$0x81] =	vst.msk $0xffff, v0;
	(pc) =	sbr.rel @p1 .LBB1_3-.Ltmp3, $4  }
0x36: {  	v0 =	vld [tilespmem:s18+$0x0];
	[tilespmem:s15+$0x0 ss:$0x81] =	vst.msk $0xffff, v1  }
0x37: {  	s15 =	sshra.s32 s19, $0x2;
	v1 =	vld [tilespmem:s18+$0xFFFFFFE0]  }
0x38: {  	s15 =	sadd.s32 s15, s16  }
0x39: {  	s18 =	sadd.s32 $0x40, s18;
	[tilespmem:s15+$0x1830 ss:$0x81] =	vst.msk $0xffff, v3  }
.Ltmp4:
0x3a: {  	_ = 	snop;
	(pc) =	sbr.rel .LBB1_4-.Ltmp4, $1  }
0x3b: {  	_ =	sdelay $0x3  }
.LBB1_6:
0x3c: {  	_ =	sfence.sel $0x180000  }
0x3d: {  	s2 =	simm.s32 $0x1;
	[bflag:$0x0] =	sbarrier.arrive $0xFFFF  }
0x3e: {  	s31 =	simm.s32 $0x2;
	[sflag:s2] =	ssyncpa.u1 $0x1  }
0x3f: {  	[sflag:s31] =	ssyncpa.u1 $0x1  }
0x40: {  	p0 =	sne.s32 s0, $0x0;
	_ =	strace $0x9000004A  }
0x41: {  	s0 =	sadd.s32 @!p0 $0x100000, s1;
	[bflag:$0x2] =	sbarrier.arrive $0xFFFF  }
0x42: {  	[sflag:s0] =	ssyncadd.tile.s32 @!p0 $0x1;
	_ =	shalt  }
.Lfunc_end1:
_tile_overlayer_lowered:
.L_overlay_start_2:
0x43: {  	(tag) =	ssettag $0x2  }
0x44: {  	s0 =	rddreg [dreg:$0x0];
	s2 =	stileid.u32  }
0x45: {  	s1 =	rddreg [dreg:$0x1];
	p0 =	sne.s32 s2, $0x0  }
0x46: {  	s3 =	rddreg [dreg:$0x2];
	[bflag:$0x3] =	sbarrier.arrive $0xFFFF;
	s2 =	simm.s32 @!p0 $0x1C01  }
0x47: {  	[timem:s3], [sflag:s2] =	dma.local @!p0 [hbm:s0], s1  }
0x48: {  	s0 =	simm.s32 @!p0 $0x1  }
0x49: {  	_ =	swait.ge @!p0 [sflag:s0], s1  }
0x4a: {  	s1 =	ssub.s32 @!p0 $0x0, s1;
	[sflag:s0] =	ssyncset.done @!p0 $0x0  }
0x4b: {  	[sflag:s0] =	ssyncadd.s32 @!p0 s1  }
0x4c: {  	[bflag:$0x3] =	sbarrier.arrive $0xFFFF  }
0x4d: {  	_ =	shalt  }

</sc_bundles>
